<compile_context>
chip_gen: v7x
topology: tpu7x:2x2x1
jax: 0.10.2.dev20260603
libtpu: 0.0.44.dev20260713+nightly
codegen_flags: <defaults>
</compile_context>

<pallas_src>
import jax
import jax.numpy as jnp
from jax import lax
from jax.experimental import pallas as pl
from jax.experimental.pallas import tpu as pltpu
from jax.experimental.pallas import tpu_sc as plsc
from jax._src.pallas import mpmd

_B, _S, _D = 4, 8192, 768
_NC, _NS = 2, 16
_NW = _NC * _NS

_BATCHES = (0, 1, 2, 3)

_S_TEC = 4608
_TEC_CH = 48
_TEC_CHUNKS = (_S_TEC // _NW) // _TEC_CH

_S_SCS = _S - _S_TEC
_SCS_CH = 448
_SCS_CHUNKS = (_S_SCS // _NC) // _SCS_CH

_mesh_v = plsc.VectorSubcoreMesh(core_axis_name="c", subcore_axis_name="s")
_mesh_s = plsc.ScalarSubcoreMesh(axis_name="c", num_cores=_NC)


def _ring_copy(table_hbm, out_hbm, buf, rsems, wsems, base, ch, n_chunks, batches):
    writes = [[], []]
    reads = [None, None]
    for i in range(min(2, n_chunks)):
        reads[i] = pltpu.async_copy(
            table_hbm.at[pl.ds(base + i * ch, ch)], buf.at[i], rsems[i]
        )
    for i in range(n_chunks):
        sl = i % 2
        reads[sl].wait()
        r0 = base + i * ch
        for b in batches:
            writes[sl].append(
                pltpu.async_copy(buf.at[sl], out_hbm.at[b, pl.ds(r0, ch)], wsems[sl])
            )
        nxt = i + 2
        if nxt < n_chunks:
            for w in writes[sl]:
                w.wait()
            writes[sl] = []
            reads[sl] = pltpu.async_copy(
                table_hbm.at[pl.ds(base + nxt * ch, ch)], buf.at[sl], rsems[sl]
            )
    for sl in range(2):
        for w in writes[sl]:
            w.wait()


def _tec_fn(table_hbm, out_hbm, scs_buf):
    del scs_buf
    wid = lax.axis_index("s") * _NC + lax.axis_index("c")
    base = wid * (_S_TEC // _NW)

    def body(buf, r0, r1, w0, w1):
        _ring_copy(table_hbm, out_hbm, buf, (r0, r1), (w0, w1),
                   base, _TEC_CH, _TEC_CHUNKS, _BATCHES)

    pl.run_scoped(
        body,
        pltpu.VMEM((2, _TEC_CH, _D), jnp.float32),
        *([pltpu.SemaphoreType.DMA] * 4),
    )


def _scs_fn(table_hbm, out_hbm, scs_buf):
    cid = lax.axis_index("c")
    base = _S_TEC + cid * (_S_SCS // _NC)

    def body(r0, r1, w0, w1):
        _ring_copy(table_hbm, out_hbm, scs_buf, (r0, r1), (w0, w1),
                   base, _SCS_CH, _SCS_CHUNKS, _BATCHES)

    pl.run_scoped(body, *([pltpu.SemaphoreType.DMA] * 4))


_combined = mpmd.mpmd_map(
    [(_mesh_v, _tec_fn), (_mesh_s, _scs_fn)],
    out_types=jax.ShapeDtypeStruct((_B, _S, _D), jnp.float32),
    scratch_types=(pltpu.VMEM_SHARED((2, _SCS_CH, _D), jnp.float32),),
)


def kernel(x, pos_embed_weight):
    del x
    return _combined(pos_embed_weight)

# --- scband reference (transcript-rebuilt; emitter-appended) ---
"""Pipeline reference for scband-positional-embedding-23201413333362 (READ-ONLY COPY).

The authoritative reference and input builder live on the scoring server;
editing this copy changes nothing except your own understanding.
"""

import jax, jax.numpy as jnp
import numpy as np

MAX_LENGTH = 8192
EMBED_DIM = 768

def setup_inputs(seed: int = 0) -> dict:
    key = jax.random.key(seed)
    k1, k2 = jax.random.split(key)
    x = jax.random.randint(k1, (4, 8192), 0, MAX_LENGTH, dtype=jnp.int64) if jax.config.jax_enable_x64 else jax.random.randint(k1, (4, 8192), 0, MAX_LENGTH, dtype=jnp.int32)
    pos_embed_weight = jax.random.normal(k2, (MAX_LENGTH, EMBED_DIM), dtype=jnp.float32)
    return {"x": x, "pos_embed_weight": pos_embed_weight}

def reference(x, pos_embed_weight):
    # seq_length = x.size(1)
    seq_length = x.shape[1]
    pos = jnp.arange(seq_length, dtype=jnp.int32)
    # unsqueeze(0).expand_as(x)
    pos = jnp.broadcast_to(pos[None, :], x.shape)
    # embedding lookup (gather rows of the positional table)
    out = jnp.take(pos_embed_weight, pos, axis=0)
    return out

if __name__ == "__main__":
    import jax
    _d = setup_inputs()
    print(jax.jit(kernel)(*tuple(_d.values())))

</pallas_src>

<mosaic_0001>
#map = affine_map<(d0, d1) -> (0, 0)>
#map1 = affine_map<(d0, d1) -> (0, 0, 0)>
#map2 = affine_map<(d0) -> (0, 0)>
#map3 = affine_map<(d0) -> (0, 0, 0)>
module attributes {stable_mosaic.version = 14 : i64} {
  func.func @_tec_fn(%arg0: i32, %arg1: i32, %arg2: memref<8192x768xf32, #tpu.memory_space<hbm>>, %arg3: memref<4x8192x768xf32, #tpu.memory_space<hbm>>, %arg4: memref<2x448x768xf32, #tpu.memory_space<vmem_shared>>) attributes {dimension_semantics = [#tpu.dimension_semantics<core_parallel>, #tpu.dimension_semantics<subcore_parallel>], iteration_bounds = array<i64: 2, 16>, scalar_prefetch = 0 : i64, scratch_operands = 1 : i64, tpu.core_type = #tpu.core_type<sc_vector_subcore>, window_params = [{transform_indices = #map}, {transform_indices = #map1}]} {
    %mul3A = arith.constant 2 : i32
    %mul3A_0 = arith.muli %arg1, %mul3A : i32
    %add3A = arith.addi %mul3A_0, %arg0 : i32
    %mul3A_1 = arith.constant 144 : i32
    %mul3A_2 = arith.muli %add3A, %mul3A_1 : i32
    "tpu.region"() ({
      %run_scoped3A = memref.alloca() : memref<2x48x768xf32, #tpu.memory_space<vmem>>
      %run_scoped3A_3 = tpu.sem_alloc : memref<!tpu.dma_semaphore, #tpu.memory_space<semaphore_mem>>
      %run_scoped3A_4 = tpu.sem_alloc : memref<!tpu.dma_semaphore, #tpu.memory_space<semaphore_mem>>
      %run_scoped3A_5 = tpu.sem_alloc : memref<!tpu.dma_semaphore, #tpu.memory_space<semaphore_mem>>
      %run_scoped3A_6 = tpu.sem_alloc : memref<!tpu.dma_semaphore, #tpu.memory_space<semaphore_mem>>
      %add3A_7 = arith.constant 0 : i32
      %add3A_8 = arith.addi %mul3A_2, %add3A_7 : i32
      %dma_start3A = arith.constant 0 : i32
      %dma_start3A_9 = arith.constant 0 : i32
      %dma_start3A_10 = arith.constant 0 : i32
      %dma_start3A_11 = tpu.memref_slice %run_scoped3A[%dma_start3A, %dma_start3A_9, %dma_start3A_10] : memref<2x48x768xf32, #tpu.memory_space<vmem>> -> memref<1x48x768xf32, #tpu.memory_space<vmem>>
      %dma_start3A_12 = tpu.memref_squeeze %dma_start3A_11 : memref<1x48x768xf32, #tpu.memory_space<vmem>> -> memref<48x768xf32, #tpu.memory_space<vmem>>
      %dma_start3A_13 = arith.constant 0 : i32
      %dma_start3A_14 = tpu.memref_slice %arg2[%add3A_8, %dma_start3A_13] : memref<8192x768xf32, #tpu.memory_space<hbm>> -> memref<48x768xf32, #tpu.memory_space<hbm>>
      %dma_start3A_15 = arith.constant 0 : i32
      %dma_start3A_16 = arith.constant 0 : i32
      %dma_start3A_17 = tpu.memref_slice %run_scoped3A[%dma_start3A, %dma_start3A_15, %dma_start3A_16] : memref<2x48x768xf32, #tpu.memory_space<vmem>> -> memref<1x48x768xf32, #tpu.memory_space<vmem>>
      %dma_start3A_18 = tpu.memref_squeeze %dma_start3A_17 : memref<1x48x768xf32, #tpu.memory_space<vmem>> -> memref<48x768xf32, #tpu.memory_space<vmem>>
      %dma_start3A_19 = arith.constant 0 : i32
      %dma_start3A_20 = tpu.memref_slice %arg2[%add3A_8, %dma_start3A_19] : memref<8192x768xf32, #tpu.memory_space<hbm>> -> memref<48x768xf32, #tpu.memory_space<hbm>>
      tpu.enqueue_dma source(%dma_start3A_20 : memref<48x768xf32, #tpu.memory_space<hbm>>) target(%dma_start3A_18 : memref<48x768xf32, #tpu.memory_space<vmem>>) target_semaphore(%run_scoped3A_3 : memref<!tpu.dma_semaphore, #tpu.memory_space<semaphore_mem>>)
      %add3A_21 = arith.constant 48 : i32
      %add3A_22 = arith.addi %mul3A_2, %add3A_21 : i32
      %dma_start3A_23 = arith.constant 1 : i32
      %dma_start3A_24 = arith.constant 0 : i32
      %dma_start3A_25 = arith.constant 0 : i32
      %dma_start3A_26 = tpu.memref_slice %run_scoped3A[%dma_start3A_23, %dma_start3A_24, %dma_start3A_25] : memref<2x48x768xf32, #tpu.memory_space<vmem>> -> memref<1x48x768xf32, #tpu.memory_space<vmem>>
      %dma_start3A_27 = tpu.memref_squeeze %dma_start3A_26 : memref<1x48x768xf32, #tpu.memory_space<vmem>> -> memref<48x768xf32, #tpu.memory_space<vmem>>
      %dma_start3A_28 = arith.constant 0 : i32
      %dma_start3A_29 = tpu.memref_slice %arg2[%add3A_22, %dma_start3A_28] : memref<8192x768xf32, #tpu.memory_space<hbm>> -> memref<48x768xf32, #tpu.memory_space<hbm>>
      %dma_start3A_30 = arith.constant 0 : i32
      %dma_start3A_31 = arith.constant 0 : i32
      %dma_start3A_32 = tpu.memref_slice %run_scoped3A[%dma_start3A_23, %dma_start3A_30, %dma_start3A_31] : memref<2x48x768xf32, #tpu.memory_space<vmem>> -> memref<1x48x768xf32, #tpu.memory_space<vmem>>
      %dma_start3A_33 = tpu.memref_squeeze %dma_start3A_32 : memref<1x48x768xf32, #tpu.memory_space<vmem>> -> memref<48x768xf32, #tpu.memory_space<vmem>>
      %dma_start3A_34 = arith.constant 0 : i32
      %dma_start3A_35 = tpu.memref_slice %arg2[%add3A_22, %dma_start3A_34] : memref<8192x768xf32, #tpu.memory_space<hbm>> -> memref<48x768xf32, #tpu.memory_space<hbm>>
      tpu.enqueue_dma source(%dma_start3A_35 : memref<48x768xf32, #tpu.memory_space<hbm>>) target(%dma_start3A_33 : memref<48x768xf32, #tpu.memory_space<vmem>>) target_semaphore(%run_scoped3A_4 : memref<!tpu.dma_semaphore, #tpu.memory_space<semaphore_mem>>)
      %dma_wait3A = arith.constant 0 : i32
      %dma_wait3A_36 = arith.constant 0 : i32
      %dma_wait3A_37 = arith.constant 0 : i32
      %dma_wait3A_38 = tpu.memref_slice %run_scoped3A[%dma_wait3A, %dma_wait3A_36, %dma_wait3A_37] : memref<2x48x768xf32, #tpu.memory_space<vmem>> -> memref<1x48x768xf32, #tpu.memory_space<vmem>>
      %dma_wait3A_39 = tpu.memref_squeeze %dma_wait3A_38 : memref<1x48x768xf32, #tpu.memory_space<vmem>> -> memref<48x768xf32, #tpu.memory_space<vmem>>
      %dma_wait3A_40 = arith.constant 0 : i32
      %dma_wait3A_41 = tpu.memref_slice %arg2[%add3A_8, %dma_wait3A_40] : memref<8192x768xf32, #tpu.memory_space<hbm>> -> memref<48x768xf32, #tpu.memory_space<hbm>>
      %dma_wait3A_42 = arith.constant 0 : i32
      %dma_wait3A_43 = arith.constant 0 : i32
      %dma_wait3A_44 = tpu.memref_slice %run_scoped3A[%dma_wait3A, %dma_wait3A_42, %dma_wait3A_43] : memref<2x48x768xf32, #tpu.memory_space<vmem>> -> memref<1x48x768xf32, #tpu.memory_space<vmem>>
      %dma_wait3A_45 = tpu.memref_squeeze %dma_wait3A_44 : memref<1x48x768xf32, #tpu.memory_space<vmem>> -> memref<48x768xf32, #tpu.memory_space<vmem>>
      %dma_wait3A_46 = arith.constant 0 : i32
      %dma_wait3A_47 = tpu.memref_slice %arg2[%add3A_8, %dma_wait3A_46] : memref<8192x768xf32, #tpu.memory_space<hbm>> -> memref<48x768xf32, #tpu.memory_space<hbm>>
      tpu.wait_dma2 semaphore(%run_scoped3A_3 : memref<!tpu.dma_semaphore, #tpu.memory_space<semaphore_mem>>) src(%dma_wait3A_47 : memref<48x768xf32, #tpu.memory_space<hbm>>) dst(%dma_wait3A_45 : memref<48x768xf32, #tpu.memory_space<vmem>>)
      %add3A_48 = arith.constant 0 : i32
      %add3A_49 = arith.addi %mul3A_2, %add3A_48 : i32
      %dma_start3A_50 = arith.constant 0 : i32
      %dma_start3A_51 = arith.constant 0 : i32
      %dma_start3A_52 = arith.constant 0 : i32
      %dma_start3A_53 = arith.constant 0 : i32
      %dma_start3A_54 = tpu.memref_slice %run_scoped3A[%dma_start3A_50, %dma_start3A_52, %dma_start3A_53] : memref<2x48x768xf32, #tpu.memory_space<vmem>> -> memref<1x48x768xf32, #tpu.memory_space<vmem>>
      %dma_start3A_55 = tpu.memref_squeeze %dma_start3A_54 : memref<1x48x768xf32, #tpu.memory_space<vmem>> -> memref<48x768xf32, #tpu.memory_space<vmem>>
      %dma_start3A_56 = arith.constant 0 : i32
      %dma_start3A_57 = tpu.memref_slice %arg3[%dma_start3A_51, %add3A_49, %dma_start3A_56] : memref<4x8192x768xf32, #tpu.memory_space<hbm>> -> memref<1x48x768xf32, #tpu.memory_space<hbm>>
      %dma_start3A_58 = tpu.memref_squeeze %dma_start3A_57 : memref<1x48x768xf32, #tpu.memory_space<hbm>> -> memref<48x768xf32, #tpu.memory_space<hbm>>
      %dma_start3A_59 = arith.constant 0 : i32
      %dma_start3A_60 = tpu.memref_slice %arg3[%dma_start3A_51, %add3A_49, %dma_start3A_59] : memref<4x8192x768xf32, #tpu.memory_space<hbm>> -> memref<1x48x768xf32, #tpu.memory_space<hbm>>
      %dma_start3A_61 = tpu.memref_squeeze %dma_start3A_60 : memref<1x48x768xf32, #tpu.memory_space<hbm>> -> memref<48x768xf32, #tpu.memory_space<hbm>>
      %dma_start3A_62 = arith.constant 0 : i32
      %dma_start3A_63 = arith.constant 0 : i32
      %dma_start3A_64 = tpu.memref_slice %run_scoped3A[%dma_start3A_50, %dma_start3A_62, %dma_start3A_63] : memref<2x48x768xf32, #tpu.memory_space<vmem>> -> memref<1x48x768xf32, #tpu.memory_space<vmem>>
      %dma_start3A_65 = tpu.memref_squeeze %dma_start3A_64 : memref<1x48x768xf32, #tpu.memory_space<vmem>> -> memref<48x768xf32, #tpu.memory_space<vmem>>
      tpu.enqueue_dma source(%dma_start3A_65 : memref<48x768xf32, #tpu.memory_space<vmem>>) target(%dma_start3A_61 : memref<48x768xf32, #tpu.memory_space<hbm>>) target_semaphore(%run_scoped3A_5 : memref<!tpu.dma_semaphore, #tpu.memory_space<semaphore_mem>>)
      %dma_start3A_66 = arith.constant 0 : i32
      %dma_start3A_67 = arith.constant 1 : i32
      %dma_start3A_68 = arith.constant 0 : i32
      %dma_start3A_69 = arith.constant 0 : i32
      %dma_start3A_70 = tpu.memref_slice %run_scoped3A[%dma_start3A_66, %dma_start3A_68, %dma_start3A_69] : memref<2x48x768xf32, #tpu.memory_space<vmem>> -> memref<1x48x768xf32, #tpu.memory_space<vmem>>
      %dma_start3A_71 = tpu.memref_squeeze %dma_start3A_70 : memref<1x48x768xf32, #tpu.memory_space<vmem>> -> memref<48x768xf32, #tpu.memory_space<vmem>>
      %dma_start3A_72 = arith.constant 0 : i32
      %dma_start3A_73 = tpu.memref_slice %arg3[%dma_start3A_67, %add3A_49, %dma_start3A_72] : memref<4x8192x768xf32, #tpu.memory_space<hbm>> -> memref<1x48x768xf32, #tpu.memory_space<hbm>>
      %dma_start3A_74 = tpu.memref_squeeze %dma_start3A_73 : memref<1x48x768xf32, #tpu.memory_space<hbm>> -> memref<48x768xf32, #tpu.memory_space<hbm>>
      %dma_start3A_75 = arith.constant 0 : i32
      %dma_start3A_76 = tpu.memref_slice %arg3[%dma_start3A_67, %add3A_49, %dma_start3A_75] : memref<4x8192x768xf32, #tpu.memory_space<hbm>> -> memref<1x48x768xf32, #tpu.memory_space<hbm>>
      %dma_start3A_77 = tpu.memref_squeeze %dma_start3A_76 : memref<1x48x768xf32, #tpu.memory_space<hbm>> -> memref<48x768xf32, #tpu.memory_space<hbm>>
      %dma_start3A_78 = arith.constant 0 : i32
      %dma_start3A_79 = arith.constant 0 : i32
      %dma_start3A_80 = tpu.memref_slice %run_scoped3A[%dma_start3A_66, %dma_start3A_78, %dma_start3A_79] : memref<2x48x768xf32, #tpu.memory_space<vmem>> -> memref<1x48x768xf32, #tpu.memory_space<vmem>>
      %dma_start3A_81 = tpu.memref_squeeze %dma_start3A_80 : memref<1x48x768xf32, #tpu.memory_space<vmem>> -> memref<48x768xf32, #tpu.memory_space<vmem>>
      tpu.enqueue_dma source(%dma_start3A_81 : memref<48x768xf32, #tpu.memory_space<vmem>>) target(%dma_start3A_77 : memref<48x768xf32, #tpu.memory_space<hbm>>) target_semaphore(%run_scoped3A_5 : memref<!tpu.dma_semaphore, #tpu.memory_space<semaphore_mem>>)
      %dma_start3A_82 = arith.constant 0 : i32
      %dma_start3A_83 = arith.constant 2 : i32
      %dma_start3A_84 = arith.constant 0 : i32
      %dma_start3A_85 = arith.constant 0 : i32
      %dma_start3A_86 = tpu.memref_slice %run_scoped3A[%dma_start3A_82, %dma_start3A_84, %dma_start3A_85] : memref<2x48x768xf32, #tpu.memory_space<vmem>> -> memref<1x48x768xf32, #tpu.memory_space<vmem>>
      %dma_start3A_87 = tpu.memref_squeeze %dma_start3A_86 : memref<1x48x768xf32, #tpu.memory_space<vmem>> -> memref<48x768xf32, #tpu.memory_space<vmem>>
      %dma_start3A_88 = arith.constant 0 : i32
      %dma_start3A_89 = tpu.memref_slice %arg3[%dma_start3A_83, %add3A_49, %dma_start3A_88] : memref<4x8192x768xf32, #tpu.memory_space<hbm>> -> memref<1x48x768xf32, #tpu.memory_space<hbm>>
      %dma_start3A_90 = tpu.memref_squeeze %dma_start3A_89 : memref<1x48x768xf32, #tpu.memory_space<hbm>> -> memref<48x768xf32, #tpu.memory_space<hbm>>
      %dma_start3A_91 = arith.constant 0 : i32
      %dma_start3A_92 = tpu.memref_slice %arg3[%dma_start3A_83, %add3A_49, %dma_start3A_91] : memref<4x8192x768xf32, #tpu.memory_space<hbm>> -> memref<1x48x768xf32, #tpu.memory_space<hbm>>
      %dma_start3A_93 = tpu.memref_squeeze %dma_start3A_92 : memref<1x48x768xf32, #tpu.memory_space<hbm>> -> memref<48x768xf32, #tpu.memory_space<hbm>>
      %dma_start3A_94 = arith.constant 0 : i32
      %dma_start3A_95 = arith.constant 0 : i32
      %dma_start3A_96 = tpu.memref_slice %run_scoped3A[%dma_start3A_82, %dma_start3A_94, %dma_start3A_95] : memref<2x48x768xf32, #tpu.memory_space<vmem>> -> memref<1x48x768xf32, #tpu.memory_space<vmem>>
      %dma_start3A_97 = tpu.memref_squeeze %dma_start3A_96 : memref<1x48x768xf32, #tpu.memory_space<vmem>> -> memref<48x768xf32, #tpu.memory_space<vmem>>
      tpu.enqueue_dma source(%dma_start3A_97 : memref<48x768xf32, #tpu.memory_space<vmem>>) target(%dma_start3A_93 : memref<48x768xf32, #tpu.memory_space<hbm>>) target_semaphore(%run_scoped3A_5 : memref<!tpu.dma_semaphore, #tpu.memory_space<semaphore_mem>>)
      %dma_start3A_98 = arith.constant 0 : i32
      %dma_start3A_99 = arith.constant 3 : i32
      %dma_start3A_100 = arith.constant 0 : i32
      %dma_start3A_101 = arith.constant 0 : i32
      %dma_start3A_102 = tpu.memref_slice %run_scoped3A[%dma_start3A_98, %dma_start3A_100, %dma_start3A_101] : memref<2x48x768xf32, #tpu.memory_space<vmem>> -> memref<1x48x768xf32, #tpu.memory_space<vmem>>
      %dma_start3A_103 = tpu.memref_squeeze %dma_start3A_102 : memref<1x48x768xf32, #tpu.memory_space<vmem>> -> memref<48x768xf32, #tpu.memory_space<vmem>>
      %dma_start3A_104 = arith.constant 0 : i32
      %dma_start3A_105 = tpu.memref_slice %arg3[%dma_start3A_99, %add3A_49, %dma_start3A_104] : memref<4x8192x768xf32, #tpu.memory_space<hbm>> -> memref<1x48x768xf32, #tpu.memory_space<hbm>>
      %dma_start3A_106 = tpu.memref_squeeze %dma_start3A_105 : memref<1x48x768xf32, #tpu.memory_space<hbm>> -> memref<48x768xf32, #tpu.memory_space<hbm>>
      %dma_start3A_107 = arith.constant 0 : i32
      %dma_start3A_108 = tpu.memref_slice %arg3[%dma_start3A_99, %add3A_49, %dma_start3A_107] : memref<4x8192x768xf32, #tpu.memory_space<hbm>> -> memref<1x48x768xf32, #tpu.memory_space<hbm>>
      %dma_start3A_109 = tpu.memref_squeeze %dma_start3A_108 : memref<1x48x768xf32, #tpu.memory_space<hbm>> -> memref<48x768xf32, #tpu.memory_space<hbm>>
      %dma_start3A_110 = arith.constant 0 : i32
      %dma_start3A_111 = arith.constant 0 : i32
      %dma_start3A_112 = tpu.memref_slice %run_scoped3A[%dma_start3A_98, %dma_start3A_110, %dma_start3A_111] : memref<2x48x768xf32, #tpu.memory_space<vmem>> -> memref<1x48x768xf32, #tpu.memory_space<vmem>>
      %dma_start3A_113 = tpu.memref_squeeze %dma_start3A_112 : memref<1x48x768xf32, #tpu.memory_space<vmem>> -> memref<48x768xf32, #tpu.memory_space<vmem>>
      tpu.enqueue_dma source(%dma_start3A_113 : memref<48x768xf32, #tpu.memory_space<vmem>>) target(%dma_start3A_109 : memref<48x768xf32, #tpu.memory_space<hbm>>) target_semaphore(%run_scoped3A_5 : memref<!tpu.dma_semaphore, #tpu.memory_space<semaphore_mem>>)
      %dma_wait3A_114 = arith.constant 0 : i32
      %dma_wait3A_115 = arith.constant 0 : i32
      %dma_wait3A_116 = arith.constant 0 : i32
      %dma_wait3A_117 = arith.constant 0 : i32
      %dma_wait3A_118 = tpu.memref_slice %run_scoped3A[%dma_wait3A_114, %dma_wait3A_116, %dma_wait3A_117] : memref<2x48x768xf32, #tpu.memory_space<vmem>> -> memref<1x48x768xf32, #tpu.memory_space<vmem>>
      %dma_wait3A_119 = tpu.memref_squeeze %dma_wait3A_118 : memref<1x48x768xf32, #tpu.memory_space<vmem>> -> memref<48x768xf32, #tpu.memory_space<vmem>>
      %dma_wait3A_120 = arith.constant 0 : i32
      %dma_wait3A_121 = tpu.memref_slice %arg3[%dma_wait3A_115, %add3A_49, %dma_wait3A_120] : memref<4x8192x768xf32, #tpu.memory_space<hbm>> -> memref<1x48x768xf32, #tpu.memory_space<hbm>>
      %dma_wait3A_122 = tpu.memref_squeeze %dma_wait3A_121 : memref<1x48x768xf32, #tpu.memory_space<hbm>> -> memref<48x768xf32, #tpu.memory_space<hbm>>
      %dma_wait3A_123 = arith.constant 0 : i32
      %dma_wait3A_124 = tpu.memref_slice %arg3[%dma_wait3A_115, %add3A_49, %dma_wait3A_123] : memref<4x8192x768xf32, #tpu.memory_space<hbm>> -> memref<1x48x768xf32, #tpu.memory_space<hbm>>
      %dma_wait3A_125 = tpu.memref_squeeze %dma_wait3A_124 : memref<1x48x768xf32, #tpu.memory_space<hbm>> -> memref<48x768xf32, #tpu.memory_space<hbm>>
      %dma_wait3A_126 = arith.constant 0 : i32
      %dma_wait3A_127 = arith.constant 0 : i32
      %dma_wait3A_128 = tpu.memref_slice %run_scoped3A[%dma_wait3A_114, %dma_wait3A_126, %dma_wait3A_127] : memref<2x48x768xf32, #tpu.memory_space<vmem>> -> memref<1x48x768xf32, #tpu.memory_space<vmem>>
      %dma_wait3A_129 = tpu.memref_squeeze %dma_wait3A_128 : memref<1x48x768xf32, #tpu.memory_space<vmem>> -> memref<48x768xf32, #tpu.memory_space<vmem>>
      tpu.wait_dma2 semaphore(%run_scoped3A_5 : memref<!tpu.dma_semaphore, #tpu.memory_space<semaphore_mem>>) src(%dma_wait3A_129 : memref<48x768xf32, #tpu.memory_space<vmem>>) dst(%dma_wait3A_125 : memref<48x768xf32, #tpu.memory_space<hbm>>)
      %dma_wait3A_130 = arith.constant 0 : i32
      %dma_wait3A_131 = arith.constant 1 : i32
      %dma_wait3A_132 = arith.constant 0 : i32
      %dma_wait3A_133 = arith.constant 0 : i32
      %dma_wait3A_134 = tpu.memref_slice %run_scoped3A[%dma_wait3A_130, %dma_wait3A_132, %dma_wait3A_133] : memref<2x48x768xf32, #tpu.memory_space<vmem>> -> memref<1x48x768xf32, #tpu.memory_space<vmem>>
      %dma_wait3A_135 = tpu.memref_squeeze %dma_wait3A_134 : memref<1x48x768xf32, #tpu.memory_space<vmem>> -> memref<48x768xf32, #tpu.memory_space<vmem>>
      %dma_wait3A_136 = arith.constant 0 : i32
      %dma_wait3A_137 = tpu.memref_slice %arg3[%dma_wait3A_131, %add3A_49, %dma_wait3A_136] : memref<4x8192x768xf32, #tpu.memory_space<hbm>> -> memref<1x48x768xf32, #tpu.memory_space<hbm>>
      %dma_wait3A_138 = tpu.memref_squeeze %dma_wait3A_137 : memref<1x48x768xf32, #tpu.memory_space<hbm>> -> memref<48x768xf32, #tpu.memory_space<hbm>>
      %dma_wait3A_139 = arith.constant 0 : i32
      %dma_wait3A_140 = tpu.memref_slice %arg3[%dma_wait3A_131, %add3A_49, %dma_wait3A_139] : memref<4x8192x768xf32, #tpu.memory_space<hbm>> -> memref<1x48x768xf32, #tpu.memory_space<hbm>>
      %dma_wait3A_141 = tpu.memref_squeeze %dma_wait3A_140 : memref<1x48x768xf32, #tpu.memory_space<hbm>> -> memref<48x768xf32, #tpu.memory_space<hbm>>
      %dma_wait3A_142 = arith.constant 0 : i32
      %dma_wait3A_143 = arith.constant 0 : i32
      %dma_wait3A_144 = tpu.memref_slice %run_scoped3A[%dma_wait3A_130, %dma_wait3A_142, %dma_wait3A_143] : memref<2x48x768xf32, #tpu.memory_space<vmem>> -> memref<1x48x768xf32, #tpu.memory_space<vmem>>
      %dma_wait3A_145 = tpu.memref_squeeze %dma_wait3A_144 : memref<1x48x768xf32, #tpu.memory_space<vmem>> -> memref<48x768xf32, #tpu.memory_space<vmem>>
      tpu.wait_dma2 semaphore(%run_scoped3A_5 : memref<!tpu.dma_semaphore, #tpu.memory_space<semaphore_mem>>) src(%dma_wait3A_145 : memref<48x768xf32, #tpu.memory_space<vmem>>) dst(%dma_wait3A_141 : memref<48x768xf32, #tpu.memory_space<hbm>>)
      %dma_wait3A_146 = arith.constant 0 : i32
      %dma_wait3A_147 = arith.constant 2 : i32
      %dma_wait3A_148 = arith.constant 0 : i32
      %dma_wait3A_149 = arith.constant 0 : i32
      %dma_wait3A_150 = tpu.memref_slice %run_scoped3A[%dma_wait3A_146, %dma_wait3A_148, %dma_wait3A_149] : memref<2x48x768xf32, #tpu.memory_space<vmem>> -> memref<1x48x768xf32, #tpu.memory_space<vmem>>
      %dma_wait3A_151 = tpu.memref_squeeze %dma_wait3A_150 : memref<1x48x768xf32, #tpu.memory_space<vmem>> -> memref<48x768xf32, #tpu.memory_space<vmem>>
      %dma_wait3A_152 = arith.constant 0 : i32
      %dma_wait3A_153 = tpu.memref_slice %arg3[%dma_wait3A_147, %add3A_49, %dma_wait3A_152] : memref<4x8192x768xf32, #tpu.memory_space<hbm>> -> memref<1x48x768xf32, #tpu.memory_space<hbm>>
      %dma_wait3A_154 = tpu.memref_squeeze %dma_wait3A_153 : memref<1x48x768xf32, #tpu.memory_space<hbm>> -> memref<48x768xf32, #tpu.memory_space<hbm>>
      %dma_wait3A_155 = arith.constant 0 : i32
      %dma_wait3A_156 = tpu.memref_slice %arg3[%dma_wait3A_147, %add3A_49, %dma_wait3A_155] : memref<4x8192x768xf32, #tpu.memory_space<hbm>> -> memref<1x48x768xf32, #tpu.memory_space<hbm>>
      %dma_wait3A_157 = tpu.memref_squeeze %dma_wait3A_156 : memref<1x48x768xf32, #tpu.memory_space<hbm>> -> memref<48x768xf32, #tpu.memory_space<hbm>>
      %dma_wait3A_158 = arith.constant 0 : i32
      %dma_wait3A_159 = arith.constant 0 : i32
      %dma_wait3A_160 = tpu.memref_slice %run_scoped3A[%dma_wait3A_146, %dma_wait3A_158, %dma_wait3A_159] : memref<2x48x768xf32, #tpu.memory_space<vmem>> -> memref<1x48x768xf32, #tpu.memory_space<vmem>>
      %dma_wait3A_161 = tpu.memref_squeeze %dma_wait3A_160 : memref<1x48x768xf32, #tpu.memory_space<vmem>> -> memref<48x768xf32, #tpu.memory_space<vmem>>
      tpu.wait_dma2 semaphore(%run_scoped3A_5 : memref<!tpu.dma_semaphore, #tpu.memory_space<semaphore_mem>>) src(%dma_wait3A_161 : memref<48x768xf32, #tpu.memory_space<vmem>>) dst(%dma_wait3A_157 : memref<48x768xf32, #tpu.memory_space<hbm>>)
      %dma_wait3A_162 = arith.constant 0 : i32
      %dma_wait3A_163 = arith.constant 3 : i32
      %dma_wait3A_164 = arith.constant 0 : i32
      %dma_wait3A_165 = arith.constant 0 : i32
      %dma_wait3A_166 = tpu.memref_slice %run_scoped3A[%dma_wait3A_162, %dma_wait3A_164, %dma_wait3A_165] : memref<2x48x768xf32, #tpu.memory_space<vmem>> -> memref<1x48x768xf32, #tpu.memory_space<vmem>>
      %dma_wait3A_167 = tpu.memref_squeeze %dma_wait3A_166 : memref<1x48x768xf32, #tpu.memory_space<vmem>> -> memref<48x768xf32, #tpu.memory_space<vmem>>
      %dma_wait3A_168 = arith.constant 0 : i32
      %dma_wait3A_169 = tpu.memref_slice %arg3[%dma_wait3A_163, %add3A_49, %dma_wait3A_168] : memref<4x8192x768xf32, #tpu.memory_space<hbm>> -> memref<1x48x768xf32, #tpu.memory_space<hbm>>
      %dma_wait3A_170 = tpu.memref_squeeze %dma_wait3A_169 : memref<1x48x768xf32, #tpu.memory_space<hbm>> -> memref<48x768xf32, #tpu.memory_space<hbm>>
      %dma_wait3A_171 = arith.constant 0 : i32
      %dma_wait3A_172 = tpu.memref_slice %arg3[%dma_wait3A_163, %add3A_49, %dma_wait3A_171] : memref<4x8192x768xf32, #tpu.memory_space<hbm>> -> memref<1x48x768xf32, #tpu.memory_space<hbm>>
      %dma_wait3A_173 = tpu.memref_squeeze %dma_wait3A_172 : memref<1x48x768xf32, #tpu.memory_space<hbm>> -> memref<48x768xf32, #tpu.memory_space<hbm>>
      %dma_wait3A_174 = arith.constant 0 : i32
      %dma_wait3A_175 = arith.constant 0 : i32
      %dma_wait3A_176 = tpu.memref_slice %run_scoped3A[%dma_wait3A_162, %dma_wait3A_174, %dma_wait3A_175] : memref<2x48x768xf32, #tpu.memory_space<vmem>> -> memref<1x48x768xf32, #tpu.memory_space<vmem>>
      %dma_wait3A_177 = tpu.memref_squeeze %dma_wait3A_176 : memref<1x48x768xf32, #tpu.memory_space<vmem>> -> memref<48x768xf32, #tpu.memory_space<vmem>>
      tpu.wait_dma2 semaphore(%run_scoped3A_5 : memref<!tpu.dma_semaphore, #tpu.memory_space<semaphore_mem>>) src(%dma_wait3A_177 : memref<48x768xf32, #tpu.memory_space<vmem>>) dst(%dma_wait3A_173 : memref<48x768xf32, #tpu.memory_space<hbm>>)
      %add3A_178 = arith.constant 96 : i32
      %add3A_179 = arith.addi %mul3A_2, %add3A_178 : i32
      %dma_start3A_180 = arith.constant 0 : i32
      %dma_start3A_181 = arith.constant 0 : i32
      %dma_start3A_182 = arith.constant 0 : i32
      %dma_start3A_183 = tpu.memref_slice %run_scoped3A[%dma_start3A_180, %dma_start3A_181, %dma_start3A_182] : memref<2x48x768xf32, #tpu.memory_space<vmem>> -> memref<1x48x768xf32, #tpu.memory_space<vmem>>
      %dma_start3A_184 = tpu.memref_squeeze %dma_start3A_183 : memref<1x48x768xf32, #tpu.memory_space<vmem>> -> memref<48x768xf32, #tpu.memory_space<vmem>>
      %dma_start3A_185 = arith.constant 0 : i32
      %dma_start3A_186 = tpu.memref_slice %arg2[%add3A_179, %dma_start3A_185] : memref<8192x768xf32, #tpu.memory_space<hbm>> -> memref<48x768xf32, #tpu.memory_space<hbm>>
      %dma_start3A_187 = arith.constant 0 : i32
      %dma_start3A_188 = arith.constant 0 : i32
      %dma_start3A_189 = tpu.memref_slice %run_scoped3A[%dma_start3A_180, %dma_start3A_187, %dma_start3A_188] : memref<2x48x768xf32, #tpu.memory_space<vmem>> -> memref<1x48x768xf32, #tpu.memory_space<vmem>>
      %dma_start3A_190 = tpu.memref_squeeze %dma_start3A_189 : memref<1x48x768xf32, #tpu.memory_space<vmem>> -> memref<48x768xf32, #tpu.memory_space<vmem>>
      %dma_start3A_191 = arith.constant 0 : i32
      %dma_start3A_192 = tpu.memref_slice %arg2[%add3A_179, %dma_start3A_191] : memref<8192x768xf32, #tpu.memory_space<hbm>> -> memref<48x768xf32, #tpu.memory_space<hbm>>
      tpu.enqueue_dma source(%dma_start3A_192 : memref<48x768xf32, #tpu.memory_space<hbm>>) target(%dma_start3A_190 : memref<48x768xf32, #tpu.memory_space<vmem>>) target_semaphore(%run_scoped3A_3 : memref<!tpu.dma_semaphore, #tpu.memory_space<semaphore_mem>>)
      %dma_wait3A_193 = arith.constant 1 : i32
      %dma_wait3A_194 = arith.constant 0 : i32
      %dma_wait3A_195 = arith.constant 0 : i32
      %dma_wait3A_196 = tpu.memref_slice %run_scoped3A[%dma_wait3A_193, %dma_wait3A_194, %dma_wait3A_195] : memref<2x48x768xf32, #tpu.memory_space<vmem>> -> memref<1x48x768xf32, #tpu.memory_space<vmem>>
      %dma_wait3A_197 = tpu.memref_squeeze %dma_wait3A_196 : memref<1x48x768xf32, #tpu.memory_space<vmem>> -> memref<48x768xf32, #tpu.memory_space<vmem>>
      %dma_wait3A_198 = arith.constant 0 : i32
      %dma_wait3A_199 = tpu.memref_slice %arg2[%add3A_22, %dma_wait3A_198] : memref<8192x768xf32, #tpu.memory_space<hbm>> -> memref<48x768xf32, #tpu.memory_space<hbm>>
      %dma_wait3A_200 = arith.constant 0 : i32
      %dma_wait3A_201 = arith.constant 0 : i32
      %dma_wait3A_202 = tpu.memref_slice %run_scoped3A[%dma_wait3A_193, %dma_wait3A_200, %dma_wait3A_201] : memref<2x48x768xf32, #tpu.memory_space<vmem>> -> memref<1x48x768xf32, #tpu.memory_space<vmem>>
      %dma_wait3A_203 = tpu.memref_squeeze %dma_wait3A_202 : memref<1x48x768xf32, #tpu.memory_space<vmem>> -> memref<48x768xf32, #tpu.memory_space<vmem>>
      %dma_wait3A_204 = arith.constant 0 : i32
      %dma_wait3A_205 = tpu.memref_slice %arg2[%add3A_22, %dma_wait3A_204] : memref<8192x768xf32, #tpu.memory_space<hbm>> -> memref<48x768xf32, #tpu.memory_space<hbm>>
      tpu.wait_dma2 semaphore(%run_scoped3A_4 : memref<!tpu.dma_semaphore, #tpu.memory_space<semaphore_mem>>) src(%dma_wait3A_205 : memref<48x768xf32, #tpu.memory_space<hbm>>) dst(%dma_wait3A_203 : memref<48x768xf32, #tpu.memory_space<vmem>>)
      %add3A_206 = arith.constant 48 : i32
      %add3A_207 = arith.addi %mul3A_2, %add3A_206 : i32
      %dma_start3A_208 = arith.constant 1 : i32
      %dma_start3A_209 = arith.constant 0 : i32
      %dma_start3A_210 = arith.constant 0 : i32
      %dma_start3A_211 = arith.constant 0 : i32
      %dma_start3A_212 = tpu.memref_slice %run_scoped3A[%dma_start3A_208, %dma_start3A_210, %dma_start3A_211] : memref<2x48x768xf32, #tpu.memory_space<vmem>> -> memref<1x48x768xf32, #tpu.memory_space<vmem>>
      %dma_start3A_213 = tpu.memref_squeeze %dma_start3A_212 : memref<1x48x768xf32, #tpu.memory_space<vmem>> -> memref<48x768xf32, #tpu.memory_space<vmem>>
      %dma_start3A_214 = arith.constant 0 : i32
      %dma_start3A_215 = tpu.memref_slice %arg3[%dma_start3A_209, %add3A_207, %dma_start3A_214] : memref<4x8192x768xf32, #tpu.memory_space<hbm>> -> memref<1x48x768xf32, #tpu.memory_space<hbm>>
      %dma_start3A_216 = tpu.memref_squeeze %dma_start3A_215 : memref<1x48x768xf32, #tpu.memory_space<hbm>> -> memref<48x768xf32, #tpu.memory_space<hbm>>
      %dma_start3A_217 = arith.constant 0 : i32
      %dma_start3A_218 = tpu.memref_slice %arg3[%dma_start3A_209, %add3A_207, %dma_start3A_217] : memref<4x8192x768xf32, #tpu.memory_space<hbm>> -> memref<1x48x768xf32, #tpu.memory_space<hbm>>
      %dma_start3A_219 = tpu.memref_squeeze %dma_start3A_218 : memref<1x48x768xf32, #tpu.memory_space<hbm>> -> memref<48x768xf32, #tpu.memory_space<hbm>>
      %dma_start3A_220 = arith.constant 0 : i32
      %dma_start3A_221 = arith.constant 0 : i32
      %dma_start3A_222 = tpu.memref_slice %run_scoped3A[%dma_start3A_208, %dma_start3A_220, %dma_start3A_221] : memref<2x48x768xf32, #tpu.memory_space<vmem>> -> memref<1x48x768xf32, #tpu.memory_space<vmem>>
      %dma_start3A_223 = tpu.memref_squeeze %dma_start3A_222 : memref<1x48x768xf32, #tpu.memory_space<vmem>> -> memref<48x768xf32, #tpu.memory_space<vmem>>
      tpu.enqueue_dma source(%dma_start3A_223 : memref<48x768xf32, #tpu.memory_space<vmem>>) target(%dma_start3A_219 : memref<48x768xf32, #tpu.memory_space<hbm>>) target_semaphore(%run_scoped3A_6 : memref<!tpu.dma_semaphore, #tpu.memory_space<semaphore_mem>>)
      %dma_start3A_224 = arith.constant 1 : i32
      %dma_start3A_225 = arith.constant 1 : i32
      %dma_start3A_226 = arith.constant 0 : i32
      %dma_start3A_227 = arith.constant 0 : i32
      %dma_start3A_228 = tpu.memref_slice %run_scoped3A[%dma_start3A_224, %dma_start3A_226, %dma_start3A_227] : memref<2x48x768xf32, #tpu.memory_space<vmem>> -> memref<1x48x768xf32, #tpu.memory_space<vmem>>
      %dma_start3A_229 = tpu.memref_squeeze %dma_start3A_228 : memref<1x48x768xf32, #tpu.memory_space<vmem>> -> memref<48x768xf32, #tpu.memory_space<vmem>>
      %dma_start3A_230 = arith.constant 0 : i32
      %dma_start3A_231 = tpu.memref_slice %arg3[%dma_start3A_225, %add3A_207, %dma_start3A_230] : memref<4x8192x768xf32, #tpu.memory_space<hbm>> -> memref<1x48x768xf32, #tpu.memory_space<hbm>>
      %dma_start3A_232 = tpu.memref_squeeze %dma_start3A_231 : memref<1x48x768xf32, #tpu.memory_space<hbm>> -> memref<48x768xf32, #tpu.memory_space<hbm>>
      %dma_start3A_233 = arith.constant 0 : i32
      %dma_start3A_234 = tpu.memref_slice %arg3[%dma_start3A_225, %add3A_207, %dma_start3A_233] : memref<4x8192x768xf32, #tpu.memory_space<hbm>> -> memref<1x48x768xf32, #tpu.memory_space<hbm>>
      %dma_start3A_235 = tpu.memref_squeeze %dma_start3A_234 : memref<1x48x768xf32, #tpu.memory_space<hbm>> -> memref<48x768xf32, #tpu.memory_space<hbm>>
      %dma_start3A_236 = arith.constant 0 : i32
      %dma_start3A_237 = arith.constant 0 : i32
      %dma_start3A_238 = tpu.memref_slice %run_scoped3A[%dma_start3A_224, %dma_start3A_236, %dma_start3A_237] : memref<2x48x768xf32, #tpu.memory_space<vmem>> -> memref<1x48x768xf32, #tpu.memory_space<vmem>>
      %dma_start3A_239 = tpu.memref_squeeze %dma_start3A_238 : memref<1x48x768xf32, #tpu.memory_space<vmem>> -> memref<48x768xf32, #tpu.memory_space<vmem>>
      tpu.enqueue_dma source(%dma_start3A_239 : memref<48x768xf32, #tpu.memory_space<vmem>>) target(%dma_start3A_235 : memref<48x768xf32, #tpu.memory_space<hbm>>) target_semaphore(%run_scoped3A_6 : memref<!tpu.dma_semaphore, #tpu.memory_space<semaphore_mem>>)
      %dma_start3A_240 = arith.constant 1 : i32
      %dma_start3A_241 = arith.constant 2 : i32
      %dma_start3A_242 = arith.constant 0 : i32
      %dma_start3A_243 = arith.constant 0 : i32
      %dma_start3A_244 = tpu.memref_slice %run_scoped3A[%dma_start3A_240, %dma_start3A_242, %dma_start3A_243] : memref<2x48x768xf32, #tpu.memory_space<vmem>> -> memref<1x48x768xf32, #tpu.memory_space<vmem>>
      %dma_start3A_245 = tpu.memref_squeeze %dma_start3A_244 : memref<1x48x768xf32, #tpu.memory_space<vmem>> -> memref<48x768xf32, #tpu.memory_space<vmem>>
      %dma_start3A_246 = arith.constant 0 : i32
      %dma_start3A_247 = tpu.memref_slice %arg3[%dma_start3A_241, %add3A_207, %dma_start3A_246] : memref<4x8192x768xf32, #tpu.memory_space<hbm>> -> memref<1x48x768xf32, #tpu.memory_space<hbm>>
      %dma_start3A_248 = tpu.memref_squeeze %dma_start3A_247 : memref<1x48x768xf32, #tpu.memory_space<hbm>> -> memref<48x768xf32, #tpu.memory_space<hbm>>
      %dma_start3A_249 = arith.constant 0 : i32
      %dma_start3A_250 = tpu.memref_slice %arg3[%dma_start3A_241, %add3A_207, %dma_start3A_249] : memref<4x8192x768xf32, #tpu.memory_space<hbm>> -> memref<1x48x768xf32, #tpu.memory_space<hbm>>
      %dma_start3A_251 = tpu.memref_squeeze %dma_start3A_250 : memref<1x48x768xf32, #tpu.memory_space<hbm>> -> memref<48x768xf32, #tpu.memory_space<hbm>>
      %dma_start3A_252 = arith.constant 0 : i32
      %dma_start3A_253 = arith.constant 0 : i32
      %dma_start3A_254 = tpu.memref_slice %run_scoped3A[%dma_start3A_240, %dma_start3A_252, %dma_start3A_253] : memref<2x48x768xf32, #tpu.memory_space<vmem>> -> memref<1x48x768xf32, #tpu.memory_space<vmem>>
      %dma_start3A_255 = tpu.memref_squeeze %dma_start3A_254 : memref<1x48x768xf32, #tpu.memory_space<vmem>> -> memref<48x768xf32, #tpu.memory_space<vmem>>
      tpu.enqueue_dma source(%dma_start3A_255 : memref<48x768xf32, #tpu.memory_space<vmem>>) target(%dma_start3A_251 : memref<48x768xf32, #tpu.memory_space<hbm>>) target_semaphore(%run_scoped3A_6 : memref<!tpu.dma_semaphore, #tpu.memory_space<semaphore_mem>>)
      %dma_start3A_256 = arith.constant 1 : i32
      %dma_start3A_257 = arith.constant 3 : i32
      %dma_start3A_258 = arith.constant 0 : i32
      %dma_start3A_259 = arith.constant 0 : i32
      %dma_start3A_260 = tpu.memref_slice %run_scoped3A[%dma_start3A_256, %dma_start3A_258, %dma_start3A_259] : memref<2x48x768xf32, #tpu.memory_space<vmem>> -> memref<1x48x768xf32, #tpu.memory_space<vmem>>
      %dma_start3A_261 = tpu.memref_squeeze %dma_start3A_260 : memref<1x48x768xf32, #tpu.memory_space<vmem>> -> memref<48x768xf32, #tpu.memory_space<vmem>>
      %dma_start3A_262 = arith.constant 0 : i32
      %dma_start3A_263 = tpu.memref_slice %arg3[%dma_start3A_257, %add3A_207, %dma_start3A_262] : memref<4x8192x768xf32, #tpu.memory_space<hbm>> -> memref<1x48x768xf32, #tpu.memory_space<hbm>>
      %dma_start3A_264 = tpu.memref_squeeze %dma_start3A_263 : memref<1x48x768xf32, #tpu.memory_space<hbm>> -> memref<48x768xf32, #tpu.memory_space<hbm>>
      %dma_start3A_265 = arith.constant 0 : i32
      %dma_start3A_266 = tpu.memref_slice %arg3[%dma_start3A_257, %add3A_207, %dma_start3A_265] : memref<4x8192x768xf32, #tpu.memory_space<hbm>> -> memref<1x48x768xf32, #tpu.memory_space<hbm>>
      %dma_start3A_267 = tpu.memref_squeeze %dma_start3A_266 : memref<1x48x768xf32, #tpu.memory_space<hbm>> -> memref<48x768xf32, #tpu.memory_space<hbm>>
      %dma_start3A_268 = arith.constant 0 : i32
      %dma_start3A_269 = arith.constant 0 : i32
      %dma_start3A_270 = tpu.memref_slice %run_scoped3A[%dma_start3A_256, %dma_start3A_268, %dma_start3A_269] : memref<2x48x768xf32, #tpu.memory_space<vmem>> -> memref<1x48x768xf32, #tpu.memory_space<vmem>>
      %dma_start3A_271 = tpu.memref_squeeze %dma_start3A_270 : memref<1x48x768xf32, #tpu.memory_space<vmem>> -> memref<48x768xf32, #tpu.memory_space<vmem>>
      tpu.enqueue_dma source(%dma_start3A_271 : memref<48x768xf32, #tpu.memory_space<vmem>>) target(%dma_start3A_267 : memref<48x768xf32, #tpu.memory_space<hbm>>) target_semaphore(%run_scoped3A_6 : memref<!tpu.dma_semaphore, #tpu.memory_space<semaphore_mem>>)
      %dma_wait3A_272 = arith.constant 0 : i32
      %dma_wait3A_273 = arith.constant 0 : i32
      %dma_wait3A_274 = arith.constant 0 : i32
      %dma_wait3A_275 = tpu.memref_slice %run_scoped3A[%dma_wait3A_272, %dma_wait3A_273, %dma_wait3A_274] : memref<2x48x768xf32, #tpu.memory_space<vmem>> -> memref<1x48x768xf32, #tpu.memory_space<vmem>>
      %dma_wait3A_276 = tpu.memref_squeeze %dma_wait3A_275 : memref<1x48x768xf32, #tpu.memory_space<vmem>> -> memref<48x768xf32, #tpu.memory_space<vmem>>
      %dma_wait3A_277 = arith.constant 0 : i32
      %dma_wait3A_278 = tpu.memref_slice %arg2[%add3A_179, %dma_wait3A_277] : memref<8192x768xf32, #tpu.memory_space<hbm>> -> memref<48x768xf32, #tpu.memory_space<hbm>>
      %dma_wait3A_279 = arith.constant 0 : i32
      %dma_wait3A_280 = arith.constant 0 : i32
      %dma_wait3A_281 = tpu.memref_slice %run_scoped3A[%dma_wait3A_272, %dma_wait3A_279, %dma_wait3A_280] : memref<2x48x768xf32, #tpu.memory_space<vmem>> -> memref<1x48x768xf32, #tpu.memory_space<vmem>>
      %dma_wait3A_282 = tpu.memref_squeeze %dma_wait3A_281 : memref<1x48x768xf32, #tpu.memory_space<vmem>> -> memref<48x768xf32, #tpu.memory_space<vmem>>
      %dma_wait3A_283 = arith.constant 0 : i32
      %dma_wait3A_284 = tpu.memref_slice %arg2[%add3A_179, %dma_wait3A_283] : memref<8192x768xf32, #tpu.memory_space<hbm>> -> memref<48x768xf32, #tpu.memory_space<hbm>>
      tpu.wait_dma2 semaphore(%run_scoped3A_3 : memref<!tpu.dma_semaphore, #tpu.memory_space<semaphore_mem>>) src(%dma_wait3A_284 : memref<48x768xf32, #tpu.memory_space<hbm>>) dst(%dma_wait3A_282 : memref<48x768xf32, #tpu.memory_space<vmem>>)
      %add3A_285 = arith.constant 96 : i32
      %add3A_286 = arith.addi %mul3A_2, %add3A_285 : i32
      %dma_start3A_287 = arith.constant 0 : i32
      %dma_start3A_288 = arith.constant 0 : i32
      %dma_start3A_289 = arith.constant 0 : i32
      %dma_start3A_290 = arith.constant 0 : i32
      %dma_start3A_291 = tpu.memref_slice %run_scoped3A[%dma_start3A_287, %dma_start3A_289, %dma_start3A_290] : memref<2x48x768xf32, #tpu.memory_space<vmem>> -> memref<1x48x768xf32, #tpu.memory_space<vmem>>
      %dma_start3A_292 = tpu.memref_squeeze %dma_start3A_291 : memref<1x48x768xf32, #tpu.memory_space<vmem>> -> memref<48x768xf32, #tpu.memory_space<vmem>>
      %dma_start3A_293 = arith.constant 0 : i32
      %dma_start3A_294 = tpu.memref_slice %arg3[%dma_start3A_288, %add3A_286, %dma_start3A_293] : memref<4x8192x768xf32, #tpu.memory_space<hbm>> -> memref<1x48x768xf32, #tpu.memory_space<hbm>>
      %dma_start3A_295 = tpu.memref_squeeze %dma_start3A_294 : memref<1x48x768xf32, #tpu.memory_space<hbm>> -> memref<48x768xf32, #tpu.memory_space<hbm>>
      %dma_start3A_296 = arith.constant 0 : i32
      %dma_start3A_297 = tpu.memref_slice %arg3[%dma_start3A_288, %add3A_286, %dma_start3A_296] : memref<4x8192x768xf32, #tpu.memory_space<hbm>> -> memref<1x48x768xf32, #tpu.memory_space<hbm>>
      %dma_start3A_298 = tpu.memref_squeeze %dma_start3A_297 : memref<1x48x768xf32, #tpu.memory_space<hbm>> -> memref<48x768xf32, #tpu.memory_space<hbm>>
      %dma_start3A_299 = arith.constant 0 : i32
      %dma_start3A_300 = arith.constant 0 : i32
      %dma_start3A_301 = tpu.memref_slice %run_scoped3A[%dma_start3A_287, %dma_start3A_299, %dma_start3A_300] : memref<2x48x768xf32, #tpu.memory_space<vmem>> -> memref<1x48x768xf32, #tpu.memory_space<vmem>>
      %dma_start3A_302 = tpu.memref_squeeze %dma_start3A_301 : memref<1x48x768xf32, #tpu.memory_space<vmem>> -> memref<48x768xf32, #tpu.memory_space<vmem>>
      tpu.enqueue_dma source(%dma_start3A_302 : memref<48x768xf32, #tpu.memory_space<vmem>>) target(%dma_start3A_298 : memref<48x768xf32, #tpu.memory_space<hbm>>) target_semaphore(%run_scoped3A_5 : memref<!tpu.dma_semaphore, #tpu.memory_space<semaphore_mem>>)
      %dma_start3A_303 = arith.constant 0 : i32
      %dma_start3A_304 = arith.constant 1 : i32
      %dma_start3A_305 = arith.constant 0 : i32
      %dma_start3A_306 = arith.constant 0 : i32
      %dma_start3A_307 = tpu.memref_slice %run_scoped3A[%dma_start3A_303, %dma_start3A_305, %dma_start3A_306] : memref<2x48x768xf32, #tpu.memory_space<vmem>> -> memref<1x48x768xf32, #tpu.memory_space<vmem>>
      %dma_start3A_308 = tpu.memref_squeeze %dma_start3A_307 : memref<1x48x768xf32, #tpu.memory_space<vmem>> -> memref<48x768xf32, #tpu.memory_space<vmem>>
      %dma_start3A_309 = arith.constant 0 : i32
      %dma_start3A_310 = tpu.memref_slice %arg3[%dma_start3A_304, %add3A_286, %dma_start3A_309] : memref<4x8192x768xf32, #tpu.memory_space<hbm>> -> memref<1x48x768xf32, #tpu.memory_space<hbm>>
      %dma_start3A_311 = tpu.memref_squeeze %dma_start3A_310 : memref<1x48x768xf32, #tpu.memory_space<hbm>> -> memref<48x768xf32, #tpu.memory_space<hbm>>
      %dma_start3A_312 = arith.constant 0 : i32
      %dma_start3A_313 = tpu.memref_slice %arg3[%dma_start3A_304, %add3A_286, %dma_start3A_312] : memref<4x8192x768xf32, #tpu.memory_space<hbm>> -> memref<1x48x768xf32, #tpu.memory_space<hbm>>
      %dma_start3A_314 = tpu.memref_squeeze %dma_start3A_313 : memref<1x48x768xf32, #tpu.memory_space<hbm>> -> memref<48x768xf32, #tpu.memory_space<hbm>>
      %dma_start3A_315 = arith.constant 0 : i32
      %dma_start3A_316 = arith.constant 0 : i32
      %dma_start3A_317 = tpu.memref_slice %run_scoped3A[%dma_start3A_303, %dma_start3A_315, %dma_start3A_316] : memref<2x48x768xf32, #tpu.memory_space<vmem>> -> memref<1x48x768xf32, #tpu.memory_space<vmem>>
      %dma_start3A_318 = tpu.memref_squeeze %dma_start3A_317 : memref<1x48x768xf32, #tpu.memory_space<vmem>> -> memref<48x768xf32, #tpu.memory_space<vmem>>
      tpu.enqueue_dma source(%dma_start3A_318 : memref<48x768xf32, #tpu.memory_space<vmem>>) target(%dma_start3A_314 : memref<48x768xf32, #tpu.memory_space<hbm>>) target_semaphore(%run_scoped3A_5 : memref<!tpu.dma_semaphore, #tpu.memory_space<semaphore_mem>>)
      %dma_start3A_319 = arith.constant 0 : i32
      %dma_start3A_320 = arith.constant 2 : i32
      %dma_start3A_321 = arith.constant 0 : i32
      %dma_start3A_322 = arith.constant 0 : i32
      %dma_start3A_323 = tpu.memref_slice %run_scoped3A[%dma_start3A_319, %dma_start3A_321, %dma_start3A_322] : memref<2x48x768xf32, #tpu.memory_space<vmem>> -> memref<1x48x768xf32, #tpu.memory_space<vmem>>
      %dma_start3A_324 = tpu.memref_squeeze %dma_start3A_323 : memref<1x48x768xf32, #tpu.memory_space<vmem>> -> memref<48x768xf32, #tpu.memory_space<vmem>>
      %dma_start3A_325 = arith.constant 0 : i32
      %dma_start3A_326 = tpu.memref_slice %arg3[%dma_start3A_320, %add3A_286, %dma_start3A_325] : memref<4x8192x768xf32, #tpu.memory_space<hbm>> -> memref<1x48x768xf32, #tpu.memory_space<hbm>>
      %dma_start3A_327 = tpu.memref_squeeze %dma_start3A_326 : memref<1x48x768xf32, #tpu.memory_space<hbm>> -> memref<48x768xf32, #tpu.memory_space<hbm>>
      %dma_start3A_328 = arith.constant 0 : i32
      %dma_start3A_329 = tpu.memref_slice %arg3[%dma_start3A_320, %add3A_286, %dma_start3A_328] : memref<4x8192x768xf32, #tpu.memory_space<hbm>> -> memref<1x48x768xf32, #tpu.memory_space<hbm>>
      %dma_start3A_330 = tpu.memref_squeeze %dma_start3A_329 : memref<1x48x768xf32, #tpu.memory_space<hbm>> -> memref<48x768xf32, #tpu.memory_space<hbm>>
      %dma_start3A_331 = arith.constant 0 : i32
      %dma_start3A_332 = arith.constant 0 : i32
      %dma_start3A_333 = tpu.memref_slice %run_scoped3A[%dma_start3A_319, %dma_start3A_331, %dma_start3A_332] : memref<2x48x768xf32, #tpu.memory_space<vmem>> -> memref<1x48x768xf32, #tpu.memory_space<vmem>>
      %dma_start3A_334 = tpu.memref_squeeze %dma_start3A_333 : memref<1x48x768xf32, #tpu.memory_space<vmem>> -> memref<48x768xf32, #tpu.memory_space<vmem>>
      tpu.enqueue_dma source(%dma_start3A_334 : memref<48x768xf32, #tpu.memory_space<vmem>>) target(%dma_start3A_330 : memref<48x768xf32, #tpu.memory_space<hbm>>) target_semaphore(%run_scoped3A_5 : memref<!tpu.dma_semaphore, #tpu.memory_space<semaphore_mem>>)
      %dma_start3A_335 = arith.constant 0 : i32
      %dma_start3A_336 = arith.constant 3 : i32
      %dma_start3A_337 = arith.constant 0 : i32
      %dma_start3A_338 = arith.constant 0 : i32
      %dma_start3A_339 = tpu.memref_slice %run_scoped3A[%dma_start3A_335, %dma_start3A_337, %dma_start3A_338] : memref<2x48x768xf32, #tpu.memory_space<vmem>> -> memref<1x48x768xf32, #tpu.memory_space<vmem>>
      %dma_start3A_340 = tpu.memref_squeeze %dma_start3A_339 : memref<1x48x768xf32, #tpu.memory_space<vmem>> -> memref<48x768xf32, #tpu.memory_space<vmem>>
      %dma_start3A_341 = arith.constant 0 : i32
      %dma_start3A_342 = tpu.memref_slice %arg3[%dma_start3A_336, %add3A_286, %dma_start3A_341] : memref<4x8192x768xf32, #tpu.memory_space<hbm>> -> memref<1x48x768xf32, #tpu.memory_space<hbm>>
      %dma_start3A_343 = tpu.memref_squeeze %dma_start3A_342 : memref<1x48x768xf32, #tpu.memory_space<hbm>> -> memref<48x768xf32, #tpu.memory_space<hbm>>
      %dma_start3A_344 = arith.constant 0 : i32
      %dma_start3A_345 = tpu.memref_slice %arg3[%dma_start3A_336, %add3A_286, %dma_start3A_344] : memref<4x8192x768xf32, #tpu.memory_space<hbm>> -> memref<1x48x768xf32, #tpu.memory_space<hbm>>
      %dma_start3A_346 = tpu.memref_squeeze %dma_start3A_345 : memref<1x48x768xf32, #tpu.memory_space<hbm>> -> memref<48x768xf32, #tpu.memory_space<hbm>>
      %dma_start3A_347 = arith.constant 0 : i32
      %dma_start3A_348 = arith.constant 0 : i32
      %dma_start3A_349 = tpu.memref_slice %run_scoped3A[%dma_start3A_335, %dma_start3A_347, %dma_start3A_348] : memref<2x48x768xf32, #tpu.memory_space<vmem>> -> memref<1x48x768xf32, #tpu.memory_space<vmem>>
      %dma_start3A_350 = tpu.memref_squeeze %dma_start3A_349 : memref<1x48x768xf32, #tpu.memory_space<vmem>> -> memref<48x768xf32, #tpu.memory_space<vmem>>
      tpu.enqueue_dma source(%dma_start3A_350 : memref<48x768xf32, #tpu.memory_space<vmem>>) target(%dma_start3A_346 : memref<48x768xf32, #tpu.memory_space<hbm>>) target_semaphore(%run_scoped3A_5 : memref<!tpu.dma_semaphore, #tpu.memory_space<semaphore_mem>>)
      %dma_wait3A_351 = arith.constant 0 : i32
      %dma_wait3A_352 = arith.constant 0 : i32
      %dma_wait3A_353 = arith.constant 0 : i32
      %dma_wait3A_354 = arith.constant 0 : i32
      %dma_wait3A_355 = tpu.memref_slice %run_scoped3A[%dma_wait3A_351, %dma_wait3A_353, %dma_wait3A_354] : memref<2x48x768xf32, #tpu.memory_space<vmem>> -> memref<1x48x768xf32, #tpu.memory_space<vmem>>
      %dma_wait3A_356 = tpu.memref_squeeze %dma_wait3A_355 : memref<1x48x768xf32, #tpu.memory_space<vmem>> -> memref<48x768xf32, #tpu.memory_space<vmem>>
      %dma_wait3A_357 = arith.constant 0 : i32
      %dma_wait3A_358 = tpu.memref_slice %arg3[%dma_wait3A_352, %add3A_286, %dma_wait3A_357] : memref<4x8192x768xf32, #tpu.memory_space<hbm>> -> memref<1x48x768xf32, #tpu.memory_space<hbm>>
      %dma_wait3A_359 = tpu.memref_squeeze %dma_wait3A_358 : memref<1x48x768xf32, #tpu.memory_space<hbm>> -> memref<48x768xf32, #tpu.memory_space<hbm>>
      %dma_wait3A_360 = arith.constant 0 : i32
      %dma_wait3A_361 = tpu.memref_slice %arg3[%dma_wait3A_352, %add3A_286, %dma_wait3A_360] : memref<4x8192x768xf32, #tpu.memory_space<hbm>> -> memref<1x48x768xf32, #tpu.memory_space<hbm>>
      %dma_wait3A_362 = tpu.memref_squeeze %dma_wait3A_361 : memref<1x48x768xf32, #tpu.memory_space<hbm>> -> memref<48x768xf32, #tpu.memory_space<hbm>>
      %dma_wait3A_363 = arith.constant 0 : i32
      %dma_wait3A_364 = arith.constant 0 : i32
      %dma_wait3A_365 = tpu.memref_slice %run_scoped3A[%dma_wait3A_351, %dma_wait3A_363, %dma_wait3A_364] : memref<2x48x768xf32, #tpu.memory_space<vmem>> -> memref<1x48x768xf32, #tpu.memory_space<vmem>>
      %dma_wait3A_366 = tpu.memref_squeeze %dma_wait3A_365 : memref<1x48x768xf32, #tpu.memory_space<vmem>> -> memref<48x768xf32, #tpu.memory_space<vmem>>
      tpu.wait_dma2 semaphore(%run_scoped3A_5 : memref<!tpu.dma_semaphore, #tpu.memory_space<semaphore_mem>>) src(%dma_wait3A_366 : memref<48x768xf32, #tpu.memory_space<vmem>>) dst(%dma_wait3A_362 : memref<48x768xf32, #tpu.memory_space<hbm>>)
      %dma_wait3A_367 = arith.constant 0 : i32
      %dma_wait3A_368 = arith.constant 1 : i32
      %dma_wait3A_369 = arith.constant 0 : i32
      %dma_wait3A_370 = arith.constant 0 : i32
      %dma_wait3A_371 = tpu.memref_slice %run_scoped3A[%dma_wait3A_367, %dma_wait3A_369, %dma_wait3A_370] : memref<2x48x768xf32, #tpu.memory_space<vmem>> -> memref<1x48x768xf32, #tpu.memory_space<vmem>>
      %dma_wait3A_372 = tpu.memref_squeeze %dma_wait3A_371 : memref<1x48x768xf32, #tpu.memory_space<vmem>> -> memref<48x768xf32, #tpu.memory_space<vmem>>
      %dma_wait3A_373 = arith.constant 0 : i32
      %dma_wait3A_374 = tpu.memref_slice %arg3[%dma_wait3A_368, %add3A_286, %dma_wait3A_373] : memref<4x8192x768xf32, #tpu.memory_space<hbm>> -> memref<1x48x768xf32, #tpu.memory_space<hbm>>
      %dma_wait3A_375 = tpu.memref_squeeze %dma_wait3A_374 : memref<1x48x768xf32, #tpu.memory_space<hbm>> -> memref<48x768xf32, #tpu.memory_space<hbm>>
      %dma_wait3A_376 = arith.constant 0 : i32
      %dma_wait3A_377 = tpu.memref_slice %arg3[%dma_wait3A_368, %add3A_286, %dma_wait3A_376] : memref<4x8192x768xf32, #tpu.memory_space<hbm>> -> memref<1x48x768xf32, #tpu.memory_space<hbm>>
      %dma_wait3A_378 = tpu.memref_squeeze %dma_wait3A_377 : memref<1x48x768xf32, #tpu.memory_space<hbm>> -> memref<48x768xf32, #tpu.memory_space<hbm>>
      %dma_wait3A_379 = arith.constant 0 : i32
      %dma_wait3A_380 = arith.constant 0 : i32
      %dma_wait3A_381 = tpu.memref_slice %run_scoped3A[%dma_wait3A_367, %dma_wait3A_379, %dma_wait3A_380] : memref<2x48x768xf32, #tpu.memory_space<vmem>> -> memref<1x48x768xf32, #tpu.memory_space<vmem>>
      %dma_wait3A_382 = tpu.memref_squeeze %dma_wait3A_381 : memref<1x48x768xf32, #tpu.memory_space<vmem>> -> memref<48x768xf32, #tpu.memory_space<vmem>>
      tpu.wait_dma2 semaphore(%run_scoped3A_5 : memref<!tpu.dma_semaphore, #tpu.memory_space<semaphore_mem>>) src(%dma_wait3A_382 : memref<48x768xf32, #tpu.memory_space<vmem>>) dst(%dma_wait3A_378 : memref<48x768xf32, #tpu.memory_space<hbm>>)
      %dma_wait3A_383 = arith.constant 0 : i32
      %dma_wait3A_384 = arith.constant 2 : i32
      %dma_wait3A_385 = arith.constant 0 : i32
      %dma_wait3A_386 = arith.constant 0 : i32
      %dma_wait3A_387 = tpu.memref_slice %run_scoped3A[%dma_wait3A_383, %dma_wait3A_385, %dma_wait3A_386] : memref<2x48x768xf32, #tpu.memory_space<vmem>> -> memref<1x48x768xf32, #tpu.memory_space<vmem>>
      %dma_wait3A_388 = tpu.memref_squeeze %dma_wait3A_387 : memref<1x48x768xf32, #tpu.memory_space<vmem>> -> memref<48x768xf32, #tpu.memory_space<vmem>>
      %dma_wait3A_389 = arith.constant 0 : i32
      %dma_wait3A_390 = tpu.memref_slice %arg3[%dma_wait3A_384, %add3A_286, %dma_wait3A_389] : memref<4x8192x768xf32, #tpu.memory_space<hbm>> -> memref<1x48x768xf32, #tpu.memory_space<hbm>>
      %dma_wait3A_391 = tpu.memref_squeeze %dma_wait3A_390 : memref<1x48x768xf32, #tpu.memory_space<hbm>> -> memref<48x768xf32, #tpu.memory_space<hbm>>
      %dma_wait3A_392 = arith.constant 0 : i32
      %dma_wait3A_393 = tpu.memref_slice %arg3[%dma_wait3A_384, %add3A_286, %dma_wait3A_392] : memref<4x8192x768xf32, #tpu.memory_space<hbm>> -> memref<1x48x768xf32, #tpu.memory_space<hbm>>
      %dma_wait3A_394 = tpu.memref_squeeze %dma_wait3A_393 : memref<1x48x768xf32, #tpu.memory_space<hbm>> -> memref<48x768xf32, #tpu.memory_space<hbm>>
      %dma_wait3A_395 = arith.constant 0 : i32
      %dma_wait3A_396 = arith.constant 0 : i32
      %dma_wait3A_397 = tpu.memref_slice %run_scoped3A[%dma_wait3A_383, %dma_wait3A_395, %dma_wait3A_396] : memref<2x48x768xf32, #tpu.memory_space<vmem>> -> memref<1x48x768xf32, #tpu.memory_space<vmem>>
      %dma_wait3A_398 = tpu.memref_squeeze %dma_wait3A_397 : memref<1x48x768xf32, #tpu.memory_space<vmem>> -> memref<48x768xf32, #tpu.memory_space<vmem>>
      tpu.wait_dma2 semaphore(%run_scoped3A_5 : memref<!tpu.dma_semaphore, #tpu.memory_space<semaphore_mem>>) src(%dma_wait3A_398 : memref<48x768xf32, #tpu.memory_space<vmem>>) dst(%dma_wait3A_394 : memref<48x768xf32, #tpu.memory_space<hbm>>)
      %dma_wait3A_399 = arith.constant 0 : i32
      %dma_wait3A_400 = arith.constant 3 : i32
      %dma_wait3A_401 = arith.constant 0 : i32
      %dma_wait3A_402 = arith.constant 0 : i32
      %dma_wait3A_403 = tpu.memref_slice %run_scoped3A[%dma_wait3A_399, %dma_wait3A_401, %dma_wait3A_402] : memref<2x48x768xf32, #tpu.memory_space<vmem>> -> memref<1x48x768xf32, #tpu.memory_space<vmem>>
      %dma_wait3A_404 = tpu.memref_squeeze %dma_wait3A_403 : memref<1x48x768xf32, #tpu.memory_space<vmem>> -> memref<48x768xf32, #tpu.memory_space<vmem>>
      %dma_wait3A_405 = arith.constant 0 : i32
      %dma_wait3A_406 = tpu.memref_slice %arg3[%dma_wait3A_400, %add3A_286, %dma_wait3A_405] : memref<4x8192x768xf32, #tpu.memory_space<hbm>> -> memref<1x48x768xf32, #tpu.memory_space<hbm>>
      %dma_wait3A_407 = tpu.memref_squeeze %dma_wait3A_406 : memref<1x48x768xf32, #tpu.memory_space<hbm>> -> memref<48x768xf32, #tpu.memory_space<hbm>>
      %dma_wait3A_408 = arith.constant 0 : i32
      %dma_wait3A_409 = tpu.memref_slice %arg3[%dma_wait3A_400, %add3A_286, %dma_wait3A_408] : memref<4x8192x768xf32, #tpu.memory_space<hbm>> -> memref<1x48x768xf32, #tpu.memory_space<hbm>>
      %dma_wait3A_410 = tpu.memref_squeeze %dma_wait3A_409 : memref<1x48x768xf32, #tpu.memory_space<hbm>> -> memref<48x768xf32, #tpu.memory_space<hbm>>
      %dma_wait3A_411 = arith.constant 0 : i32
      %dma_wait3A_412 = arith.constant 0 : i32
      %dma_wait3A_413 = tpu.memref_slice %run_scoped3A[%dma_wait3A_399, %dma_wait3A_411, %dma_wait3A_412] : memref<2x48x768xf32, #tpu.memory_space<vmem>> -> memref<1x48x768xf32, #tpu.memory_space<vmem>>
      %dma_wait3A_414 = tpu.memref_squeeze %dma_wait3A_413 : memref<1x48x768xf32, #tpu.memory_space<vmem>> -> memref<48x768xf32, #tpu.memory_space<vmem>>
      tpu.wait_dma2 semaphore(%run_scoped3A_5 : memref<!tpu.dma_semaphore, #tpu.memory_space<semaphore_mem>>) src(%dma_wait3A_414 : memref<48x768xf32, #tpu.memory_space<vmem>>) dst(%dma_wait3A_410 : memref<48x768xf32, #tpu.memory_space<hbm>>)
      %dma_wait3A_415 = arith.constant 1 : i32
      %dma_wait3A_416 = arith.constant 0 : i32
      %dma_wait3A_417 = arith.constant 0 : i32
      %dma_wait3A_418 = arith.constant 0 : i32
      %dma_wait3A_419 = tpu.memref_slice %run_scoped3A[%dma_wait3A_415, %dma_wait3A_417, %dma_wait3A_418] : memref<2x48x768xf32, #tpu.memory_space<vmem>> -> memref<1x48x768xf32, #tpu.memory_space<vmem>>
      %dma_wait3A_420 = tpu.memref_squeeze %dma_wait3A_419 : memref<1x48x768xf32, #tpu.memory_space<vmem>> -> memref<48x768xf32, #tpu.memory_space<vmem>>
      %dma_wait3A_421 = arith.constant 0 : i32
      %dma_wait3A_422 = tpu.memref_slice %arg3[%dma_wait3A_416, %add3A_207, %dma_wait3A_421] : memref<4x8192x768xf32, #tpu.memory_space<hbm>> -> memref<1x48x768xf32, #tpu.memory_space<hbm>>
      %dma_wait3A_423 = tpu.memref_squeeze %dma_wait3A_422 : memref<1x48x768xf32, #tpu.memory_space<hbm>> -> memref<48x768xf32, #tpu.memory_space<hbm>>
      %dma_wait3A_424 = arith.constant 0 : i32
      %dma_wait3A_425 = tpu.memref_slice %arg3[%dma_wait3A_416, %add3A_207, %dma_wait3A_424] : memref<4x8192x768xf32, #tpu.memory_space<hbm>> -> memref<1x48x768xf32, #tpu.memory_space<hbm>>
      %dma_wait3A_426 = tpu.memref_squeeze %dma_wait3A_425 : memref<1x48x768xf32, #tpu.memory_space<hbm>> -> memref<48x768xf32, #tpu.memory_space<hbm>>
      %dma_wait3A_427 = arith.constant 0 : i32
      %dma_wait3A_428 = arith.constant 0 : i32
      %dma_wait3A_429 = tpu.memref_slice %run_scoped3A[%dma_wait3A_415, %dma_wait3A_427, %dma_wait3A_428] : memref<2x48x768xf32, #tpu.memory_space<vmem>> -> memref<1x48x768xf32, #tpu.memory_space<vmem>>
      %dma_wait3A_430 = tpu.memref_squeeze %dma_wait3A_429 : memref<1x48x768xf32, #tpu.memory_space<vmem>> -> memref<48x768xf32, #tpu.memory_space<vmem>>
      tpu.wait_dma2 semaphore(%run_scoped3A_6 : memref<!tpu.dma_semaphore, #tpu.memory_space<semaphore_mem>>) src(%dma_wait3A_430 : memref<48x768xf32, #tpu.memory_space<vmem>>) dst(%dma_wait3A_426 : memref<48x768xf32, #tpu.memory_space<hbm>>)
      %dma_wait3A_431 = arith.constant 1 : i32
      %dma_wait3A_432 = arith.constant 1 : i32
      %dma_wait3A_433 = arith.constant 0 : i32
      %dma_wait3A_434 = arith.constant 0 : i32
      %dma_wait3A_435 = tpu.memref_slice %run_scoped3A[%dma_wait3A_431, %dma_wait3A_433, %dma_wait3A_434] : memref<2x48x768xf32, #tpu.memory_space<vmem>> -> memref<1x48x768xf32, #tpu.memory_space<vmem>>
      %dma_wait3A_436 = tpu.memref_squeeze %dma_wait3A_435 : memref<1x48x768xf32, #tpu.memory_space<vmem>> -> memref<48x768xf32, #tpu.memory_space<vmem>>
      %dma_wait3A_437 = arith.constant 0 : i32
      %dma_wait3A_438 = tpu.memref_slice %arg3[%dma_wait3A_432, %add3A_207, %dma_wait3A_437] : memref<4x8192x768xf32, #tpu.memory_space<hbm>> -> memref<1x48x768xf32, #tpu.memory_space<hbm>>
      %dma_wait3A_439 = tpu.memref_squeeze %dma_wait3A_438 : memref<1x48x768xf32, #tpu.memory_space<hbm>> -> memref<48x768xf32, #tpu.memory_space<hbm>>
      %dma_wait3A_440 = arith.constant 0 : i32
      %dma_wait3A_441 = tpu.memref_slice %arg3[%dma_wait3A_432, %add3A_207, %dma_wait3A_440] : memref<4x8192x768xf32, #tpu.memory_space<hbm>> -> memref<1x48x768xf32, #tpu.memory_space<hbm>>
      %dma_wait3A_442 = tpu.memref_squeeze %dma_wait3A_441 : memref<1x48x768xf32, #tpu.memory_space<hbm>> -> memref<48x768xf32, #tpu.memory_space<hbm>>
      %dma_wait3A_443 = arith.constant 0 : i32
      %dma_wait3A_444 = arith.constant 0 : i32
      %dma_wait3A_445 = tpu.memref_slice %run_scoped3A[%dma_wait3A_431, %dma_wait3A_443, %dma_wait3A_444] : memref<2x48x768xf32, #tpu.memory_space<vmem>> -> memref<1x48x768xf32, #tpu.memory_space<vmem>>
      %dma_wait3A_446 = tpu.memref_squeeze %dma_wait3A_445 : memref<1x48x768xf32, #tpu.memory_space<vmem>> -> memref<48x768xf32, #tpu.memory_space<vmem>>
      tpu.wait_dma2 semaphore(%run_scoped3A_6 : memref<!tpu.dma_semaphore, #tpu.memory_space<semaphore_mem>>) src(%dma_wait3A_446 : memref<48x768xf32, #tpu.memory_space<vmem>>) dst(%dma_wait3A_442 : memref<48x768xf32, #tpu.memory_space<hbm>>)
      %dma_wait3A_447 = arith.constant 1 : i32
      %dma_wait3A_448 = arith.constant 2 : i32
      %dma_wait3A_449 = arith.constant 0 : i32
      %dma_wait3A_450 = arith.constant 0 : i32
      %dma_wait3A_451 = tpu.memref_slice %run_scoped3A[%dma_wait3A_447, %dma_wait3A_449, %dma_wait3A_450] : memref<2x48x768xf32, #tpu.memory_space<vmem>> -> memref<1x48x768xf32, #tpu.memory_space<vmem>>
      %dma_wait3A_452 = tpu.memref_squeeze %dma_wait3A_451 : memref<1x48x768xf32, #tpu.memory_space<vmem>> -> memref<48x768xf32, #tpu.memory_space<vmem>>
      %dma_wait3A_453 = arith.constant 0 : i32
      %dma_wait3A_454 = tpu.memref_slice %arg3[%dma_wait3A_448, %add3A_207, %dma_wait3A_453] : memref<4x8192x768xf32, #tpu.memory_space<hbm>> -> memref<1x48x768xf32, #tpu.memory_space<hbm>>
      %dma_wait3A_455 = tpu.memref_squeeze %dma_wait3A_454 : memref<1x48x768xf32, #tpu.memory_space<hbm>> -> memref<48x768xf32, #tpu.memory_space<hbm>>
      %dma_wait3A_456 = arith.constant 0 : i32
      %dma_wait3A_457 = tpu.memref_slice %arg3[%dma_wait3A_448, %add3A_207, %dma_wait3A_456] : memref<4x8192x768xf32, #tpu.memory_space<hbm>> -> memref<1x48x768xf32, #tpu.memory_space<hbm>>
      %dma_wait3A_458 = tpu.memref_squeeze %dma_wait3A_457 : memref<1x48x768xf32, #tpu.memory_space<hbm>> -> memref<48x768xf32, #tpu.memory_space<hbm>>
      %dma_wait3A_459 = arith.constant 0 : i32
      %dma_wait3A_460 = arith.constant 0 : i32
      %dma_wait3A_461 = tpu.memref_slice %run_scoped3A[%dma_wait3A_447, %dma_wait3A_459, %dma_wait3A_460] : memref<2x48x768xf32, #tpu.memory_space<vmem>> -> memref<1x48x768xf32, #tpu.memory_space<vmem>>
      %dma_wait3A_462 = tpu.memref_squeeze %dma_wait3A_461 : memref<1x48x768xf32, #tpu.memory_space<vmem>> -> memref<48x768xf32, #tpu.memory_space<vmem>>
      tpu.wait_dma2 semaphore(%run_scoped3A_6 : memref<!tpu.dma_semaphore, #tpu.memory_space<semaphore_mem>>) src(%dma_wait3A_462 : memref<48x768xf32, #tpu.memory_space<vmem>>) dst(%dma_wait3A_458 : memref<48x768xf32, #tpu.memory_space<hbm>>)
      %dma_wait3A_463 = arith.constant 1 : i32
      %dma_wait3A_464 = arith.constant 3 : i32
      %dma_wait3A_465 = arith.constant 0 : i32
      %dma_wait3A_466 = arith.constant 0 : i32
      %dma_wait3A_467 = tpu.memref_slice %run_scoped3A[%dma_wait3A_463, %dma_wait3A_465, %dma_wait3A_466] : memref<2x48x768xf32, #tpu.memory_space<vmem>> -> memref<1x48x768xf32, #tpu.memory_space<vmem>>
      %dma_wait3A_468 = tpu.memref_squeeze %dma_wait3A_467 : memref<1x48x768xf32, #tpu.memory_space<vmem>> -> memref<48x768xf32, #tpu.memory_space<vmem>>
      %dma_wait3A_469 = arith.constant 0 : i32
      %dma_wait3A_470 = tpu.memref_slice %arg3[%dma_wait3A_464, %add3A_207, %dma_wait3A_469] : memref<4x8192x768xf32, #tpu.memory_space<hbm>> -> memref<1x48x768xf32, #tpu.memory_space<hbm>>
      %dma_wait3A_471 = tpu.memref_squeeze %dma_wait3A_470 : memref<1x48x768xf32, #tpu.memory_space<hbm>> -> memref<48x768xf32, #tpu.memory_space<hbm>>
      %dma_wait3A_472 = arith.constant 0 : i32
      %dma_wait3A_473 = tpu.memref_slice %arg3[%dma_wait3A_464, %add3A_207, %dma_wait3A_472] : memref<4x8192x768xf32, #tpu.memory_space<hbm>> -> memref<1x48x768xf32, #tpu.memory_space<hbm>>
      %dma_wait3A_474 = tpu.memref_squeeze %dma_wait3A_473 : memref<1x48x768xf32, #tpu.memory_space<hbm>> -> memref<48x768xf32, #tpu.memory_space<hbm>>
      %dma_wait3A_475 = arith.constant 0 : i32
      %dma_wait3A_476 = arith.constant 0 : i32
      %dma_wait3A_477 = tpu.memref_slice %run_scoped3A[%dma_wait3A_463, %dma_wait3A_475, %dma_wait3A_476] : memref<2x48x768xf32, #tpu.memory_space<vmem>> -> memref<1x48x768xf32, #tpu.memory_space<vmem>>
      %dma_wait3A_478 = tpu.memref_squeeze %dma_wait3A_477 : memref<1x48x768xf32, #tpu.memory_space<vmem>> -> memref<48x768xf32, #tpu.memory_space<vmem>>
      tpu.wait_dma2 semaphore(%run_scoped3A_6 : memref<!tpu.dma_semaphore, #tpu.memory_space<semaphore_mem>>) src(%dma_wait3A_478 : memref<48x768xf32, #tpu.memory_space<vmem>>) dst(%dma_wait3A_474 : memref<48x768xf32, #tpu.memory_space<hbm>>)
      tpu.yield
    }) : () -> ()
    return
  }
  func.func @_scs_fn(%arg0: i32, %arg1: memref<8192x768xf32, #tpu.memory_space<hbm>>, %arg2: memref<4x8192x768xf32, #tpu.memory_space<hbm>>, %arg3: memref<2x448x768xf32, #tpu.memory_space<vmem_shared>>) attributes {dimension_semantics = [#tpu.dimension_semantics<core_parallel>], iteration_bounds = array<i64: 2>, scalar_prefetch = 0 : i64, scratch_operands = 1 : i64, tpu.core_type = #tpu.core_type<sc_scalar_subcore>, window_params = [{transform_indices = #map2}, {transform_indices = #map3}]} {
    %mul3A = arith.constant 1792 : i32
    %mul3A_0 = arith.muli %arg0, %mul3A : i32
    %add3A = arith.constant 4608 : i32
    %add3A_1 = arith.addi %add3A, %mul3A_0 : i32
    "tpu.region"() ({
      %run_scoped3A = tpu.sem_alloc : memref<!tpu.dma_semaphore, #tpu.memory_space<semaphore_mem>>
      %run_scoped3A_2 = tpu.sem_alloc : memref<!tpu.dma_semaphore, #tpu.memory_space<semaphore_mem>>
      %run_scoped3A_3 = tpu.sem_alloc : memref<!tpu.dma_semaphore, #tpu.memory_space<semaphore_mem>>
      %run_scoped3A_4 = tpu.sem_alloc : memref<!tpu.dma_semaphore, #tpu.memory_space<semaphore_mem>>
      %add3A_5 = arith.constant 0 : i32
      %add3A_6 = arith.addi %add3A_1, %add3A_5 : i32
      %dma_start3A = arith.constant 0 : i32
      %dma_start3A_7 = arith.constant 0 : i32
      %dma_start3A_8 = arith.constant 0 : i32
      %dma_start3A_9 = tpu.memref_slice %arg3[%dma_start3A, %dma_start3A_7, %dma_start3A_8] : memref<2x448x768xf32, #tpu.memory_space<vmem_shared>> -> memref<1x448x768xf32, #tpu.memory_space<vmem_shared>>
      %dma_start3A_10 = tpu.memref_squeeze %dma_start3A_9 : memref<1x448x768xf32, #tpu.memory_space<vmem_shared>> -> memref<448x768xf32, #tpu.memory_space<vmem_shared>>
      %dma_start3A_11 = arith.constant 0 : i32
      %dma_start3A_12 = tpu.memref_slice %arg1[%add3A_6, %dma_start3A_11] : memref<8192x768xf32, #tpu.memory_space<hbm>> -> memref<448x768xf32, #tpu.memory_space<hbm>>
      tpu.enqueue_dma source(%dma_start3A_12 : memref<448x768xf32, #tpu.memory_space<hbm>>) target(%dma_start3A_10 : memref<448x768xf32, #tpu.memory_space<vmem_shared>>) target_semaphore(%run_scoped3A : memref<!tpu.dma_semaphore, #tpu.memory_space<semaphore_mem>>)
      %add3A_13 = arith.constant 448 : i32
      %add3A_14 = arith.addi %add3A_1, %add3A_13 : i32
      %dma_start3A_15 = arith.constant 1 : i32
      %dma_start3A_16 = arith.constant 0 : i32
      %dma_start3A_17 = arith.constant 0 : i32
      %dma_start3A_18 = tpu.memref_slice %arg3[%dma_start3A_15, %dma_start3A_16, %dma_start3A_17] : memref<2x448x768xf32, #tpu.memory_space<vmem_shared>> -> memref<1x448x768xf32, #tpu.memory_space<vmem_shared>>
      %dma_start3A_19 = tpu.memref_squeeze %dma_start3A_18 : memref<1x448x768xf32, #tpu.memory_space<vmem_shared>> -> memref<448x768xf32, #tpu.memory_space<vmem_shared>>
      %dma_start3A_20 = arith.constant 0 : i32
      %dma_start3A_21 = tpu.memref_slice %arg1[%add3A_14, %dma_start3A_20] : memref<8192x768xf32, #tpu.memory_space<hbm>> -> memref<448x768xf32, #tpu.memory_space<hbm>>
      tpu.enqueue_dma source(%dma_start3A_21 : memref<448x768xf32, #tpu.memory_space<hbm>>) target(%dma_start3A_19 : memref<448x768xf32, #tpu.memory_space<vmem_shared>>) target_semaphore(%run_scoped3A_2 : memref<!tpu.dma_semaphore, #tpu.memory_space<semaphore_mem>>)
      %dma_wait3A = arith.constant 0 : i32
      %dma_wait3A_22 = arith.constant 0 : i32
      %dma_wait3A_23 = arith.constant 0 : i32
      %dma_wait3A_24 = tpu.memref_slice %arg3[%dma_wait3A, %dma_wait3A_22, %dma_wait3A_23] : memref<2x448x768xf32, #tpu.memory_space<vmem_shared>> -> memref<1x448x768xf32, #tpu.memory_space<vmem_shared>>
      %dma_wait3A_25 = tpu.memref_squeeze %dma_wait3A_24 : memref<1x448x768xf32, #tpu.memory_space<vmem_shared>> -> memref<448x768xf32, #tpu.memory_space<vmem_shared>>
      %dma_wait3A_26 = arith.constant 0 : i32
      %dma_wait3A_27 = tpu.memref_slice %arg1[%add3A_6, %dma_wait3A_26] : memref<8192x768xf32, #tpu.memory_space<hbm>> -> memref<448x768xf32, #tpu.memory_space<hbm>>
      tpu.wait_dma2 semaphore(%run_scoped3A : memref<!tpu.dma_semaphore, #tpu.memory_space<semaphore_mem>>) src(%dma_wait3A_27 : memref<448x768xf32, #tpu.memory_space<hbm>>) dst(%dma_wait3A_25 : memref<448x768xf32, #tpu.memory_space<vmem_shared>>)
      %add3A_28 = arith.constant 0 : i32
      %add3A_29 = arith.addi %add3A_1, %add3A_28 : i32
      %dma_start3A_30 = arith.constant 0 : i32
      %dma_start3A_31 = arith.constant 0 : i32
      %dma_start3A_32 = arith.constant 0 : i32
      %dma_start3A_33 = tpu.memref_slice %arg2[%dma_start3A_31, %add3A_29, %dma_start3A_32] : memref<4x8192x768xf32, #tpu.memory_space<hbm>> -> memref<1x448x768xf32, #tpu.memory_space<hbm>>
      %dma_start3A_34 = tpu.memref_squeeze %dma_start3A_33 : memref<1x448x768xf32, #tpu.memory_space<hbm>> -> memref<448x768xf32, #tpu.memory_space<hbm>>
      %dma_start3A_35 = arith.constant 0 : i32
      %dma_start3A_36 = arith.constant 0 : i32
      %dma_start3A_37 = tpu.memref_slice %arg3[%dma_start3A_30, %dma_start3A_35, %dma_start3A_36] : memref<2x448x768xf32, #tpu.memory_space<vmem_shared>> -> memref<1x448x768xf32, #tpu.memory_space<vmem_shared>>
      %dma_start3A_38 = tpu.memref_squeeze %dma_start3A_37 : memref<1x448x768xf32, #tpu.memory_space<vmem_shared>> -> memref<448x768xf32, #tpu.memory_space<vmem_shared>>
      tpu.enqueue_dma source(%dma_start3A_38 : memref<448x768xf32, #tpu.memory_space<vmem_shared>>) target(%dma_start3A_34 : memref<448x768xf32, #tpu.memory_space<hbm>>) target_semaphore(%run_scoped3A_3 : memref<!tpu.dma_semaphore, #tpu.memory_space<semaphore_mem>>)
      %dma_start3A_39 = arith.constant 0 : i32
      %dma_start3A_40 = arith.constant 1 : i32
      %dma_start3A_41 = arith.constant 0 : i32
      %dma_start3A_42 = tpu.memref_slice %arg2[%dma_start3A_40, %add3A_29, %dma_start3A_41] : memref<4x8192x768xf32, #tpu.memory_space<hbm>> -> memref<1x448x768xf32, #tpu.memory_space<hbm>>
      %dma_start3A_43 = tpu.memref_squeeze %dma_start3A_42 : memref<1x448x768xf32, #tpu.memory_space<hbm>> -> memref<448x768xf32, #tpu.memory_space<hbm>>
      %dma_start3A_44 = arith.constant 0 : i32
      %dma_start3A_45 = arith.constant 0 : i32
      %dma_start3A_46 = tpu.memref_slice %arg3[%dma_start3A_39, %dma_start3A_44, %dma_start3A_45] : memref<2x448x768xf32, #tpu.memory_space<vmem_shared>> -> memref<1x448x768xf32, #tpu.memory_space<vmem_shared>>
      %dma_start3A_47 = tpu.memref_squeeze %dma_start3A_46 : memref<1x448x768xf32, #tpu.memory_space<vmem_shared>> -> memref<448x768xf32, #tpu.memory_space<vmem_shared>>
      tpu.enqueue_dma source(%dma_start3A_47 : memref<448x768xf32, #tpu.memory_space<vmem_shared>>) target(%dma_start3A_43 : memref<448x768xf32, #tpu.memory_space<hbm>>) target_semaphore(%run_scoped3A_3 : memref<!tpu.dma_semaphore, #tpu.memory_space<semaphore_mem>>)
      %dma_start3A_48 = arith.constant 0 : i32
      %dma_start3A_49 = arith.constant 2 : i32
      %dma_start3A_50 = arith.constant 0 : i32
      %dma_start3A_51 = tpu.memref_slice %arg2[%dma_start3A_49, %add3A_29, %dma_start3A_50] : memref<4x8192x768xf32, #tpu.memory_space<hbm>> -> memref<1x448x768xf32, #tpu.memory_space<hbm>>
      %dma_start3A_52 = tpu.memref_squeeze %dma_start3A_51 : memref<1x448x768xf32, #tpu.memory_space<hbm>> -> memref<448x768xf32, #tpu.memory_space<hbm>>
      %dma_start3A_53 = arith.constant 0 : i32
      %dma_start3A_54 = arith.constant 0 : i32
      %dma_start3A_55 = tpu.memref_slice %arg3[%dma_start3A_48, %dma_start3A_53, %dma_start3A_54] : memref<2x448x768xf32, #tpu.memory_space<vmem_shared>> -> memref<1x448x768xf32, #tpu.memory_space<vmem_shared>>
      %dma_start3A_56 = tpu.memref_squeeze %dma_start3A_55 : memref<1x448x768xf32, #tpu.memory_space<vmem_shared>> -> memref<448x768xf32, #tpu.memory_space<vmem_shared>>
      tpu.enqueue_dma source(%dma_start3A_56 : memref<448x768xf32, #tpu.memory_space<vmem_shared>>) target(%dma_start3A_52 : memref<448x768xf32, #tpu.memory_space<hbm>>) target_semaphore(%run_scoped3A_3 : memref<!tpu.dma_semaphore, #tpu.memory_space<semaphore_mem>>)
      %dma_start3A_57 = arith.constant 0 : i32
      %dma_start3A_58 = arith.constant 3 : i32
      %dma_start3A_59 = arith.constant 0 : i32
      %dma_start3A_60 = tpu.memref_slice %arg2[%dma_start3A_58, %add3A_29, %dma_start3A_59] : memref<4x8192x768xf32, #tpu.memory_space<hbm>> -> memref<1x448x768xf32, #tpu.memory_space<hbm>>
      %dma_start3A_61 = tpu.memref_squeeze %dma_start3A_60 : memref<1x448x768xf32, #tpu.memory_space<hbm>> -> memref<448x768xf32, #tpu.memory_space<hbm>>
      %dma_start3A_62 = arith.constant 0 : i32
      %dma_start3A_63 = arith.constant 0 : i32
      %dma_start3A_64 = tpu.memref_slice %arg3[%dma_start3A_57, %dma_start3A_62, %dma_start3A_63] : memref<2x448x768xf32, #tpu.memory_space<vmem_shared>> -> memref<1x448x768xf32, #tpu.memory_space<vmem_shared>>
      %dma_start3A_65 = tpu.memref_squeeze %dma_start3A_64 : memref<1x448x768xf32, #tpu.memory_space<vmem_shared>> -> memref<448x768xf32, #tpu.memory_space<vmem_shared>>
      tpu.enqueue_dma source(%dma_start3A_65 : memref<448x768xf32, #tpu.memory_space<vmem_shared>>) target(%dma_start3A_61 : memref<448x768xf32, #tpu.memory_space<hbm>>) target_semaphore(%run_scoped3A_3 : memref<!tpu.dma_semaphore, #tpu.memory_space<semaphore_mem>>)
      %dma_wait3A_66 = arith.constant 0 : i32
      %dma_wait3A_67 = arith.constant 0 : i32
      %dma_wait3A_68 = arith.constant 0 : i32
      %dma_wait3A_69 = tpu.memref_slice %arg2[%dma_wait3A_67, %add3A_29, %dma_wait3A_68] : memref<4x8192x768xf32, #tpu.memory_space<hbm>> -> memref<1x448x768xf32, #tpu.memory_space<hbm>>
      %dma_wait3A_70 = tpu.memref_squeeze %dma_wait3A_69 : memref<1x448x768xf32, #tpu.memory_space<hbm>> -> memref<448x768xf32, #tpu.memory_space<hbm>>
      %dma_wait3A_71 = arith.constant 0 : i32
      %dma_wait3A_72 = arith.constant 0 : i32
      %dma_wait3A_73 = tpu.memref_slice %arg3[%dma_wait3A_66, %dma_wait3A_71, %dma_wait3A_72] : memref<2x448x768xf32, #tpu.memory_space<vmem_shared>> -> memref<1x448x768xf32, #tpu.memory_space<vmem_shared>>
      %dma_wait3A_74 = tpu.memref_squeeze %dma_wait3A_73 : memref<1x448x768xf32, #tpu.memory_space<vmem_shared>> -> memref<448x768xf32, #tpu.memory_space<vmem_shared>>
      tpu.wait_dma2 semaphore(%run_scoped3A_3 : memref<!tpu.dma_semaphore, #tpu.memory_space<semaphore_mem>>) src(%dma_wait3A_74 : memref<448x768xf32, #tpu.memory_space<vmem_shared>>) dst(%dma_wait3A_70 : memref<448x768xf32, #tpu.memory_space<hbm>>)
      %dma_wait3A_75 = arith.constant 0 : i32
      %dma_wait3A_76 = arith.constant 1 : i32
      %dma_wait3A_77 = arith.constant 0 : i32
      %dma_wait3A_78 = tpu.memref_slice %arg2[%dma_wait3A_76, %add3A_29, %dma_wait3A_77] : memref<4x8192x768xf32, #tpu.memory_space<hbm>> -> memref<1x448x768xf32, #tpu.memory_space<hbm>>
      %dma_wait3A_79 = tpu.memref_squeeze %dma_wait3A_78 : memref<1x448x768xf32, #tpu.memory_space<hbm>> -> memref<448x768xf32, #tpu.memory_space<hbm>>
      %dma_wait3A_80 = arith.constant 0 : i32
      %dma_wait3A_81 = arith.constant 0 : i32
      %dma_wait3A_82 = tpu.memref_slice %arg3[%dma_wait3A_75, %dma_wait3A_80, %dma_wait3A_81] : memref<2x448x768xf32, #tpu.memory_space<vmem_shared>> -> memref<1x448x768xf32, #tpu.memory_space<vmem_shared>>
      %dma_wait3A_83 = tpu.memref_squeeze %dma_wait3A_82 : memref<1x448x768xf32, #tpu.memory_space<vmem_shared>> -> memref<448x768xf32, #tpu.memory_space<vmem_shared>>
      tpu.wait_dma2 semaphore(%run_scoped3A_3 : memref<!tpu.dma_semaphore, #tpu.memory_space<semaphore_mem>>) src(%dma_wait3A_83 : memref<448x768xf32, #tpu.memory_space<vmem_shared>>) dst(%dma_wait3A_79 : memref<448x768xf32, #tpu.memory_space<hbm>>)
      %dma_wait3A_84 = arith.constant 0 : i32
      %dma_wait3A_85 = arith.constant 2 : i32
      %dma_wait3A_86 = arith.constant 0 : i32
      %dma_wait3A_87 = tpu.memref_slice %arg2[%dma_wait3A_85, %add3A_29, %dma_wait3A_86] : memref<4x8192x768xf32, #tpu.memory_space<hbm>> -> memref<1x448x768xf32, #tpu.memory_space<hbm>>
      %dma_wait3A_88 = tpu.memref_squeeze %dma_wait3A_87 : memref<1x448x768xf32, #tpu.memory_space<hbm>> -> memref<448x768xf32, #tpu.memory_space<hbm>>
      %dma_wait3A_89 = arith.constant 0 : i32
      %dma_wait3A_90 = arith.constant 0 : i32
      %dma_wait3A_91 = tpu.memref_slice %arg3[%dma_wait3A_84, %dma_wait3A_89, %dma_wait3A_90] : memref<2x448x768xf32, #tpu.memory_space<vmem_shared>> -> memref<1x448x768xf32, #tpu.memory_space<vmem_shared>>
      %dma_wait3A_92 = tpu.memref_squeeze %dma_wait3A_91 : memref<1x448x768xf32, #tpu.memory_space<vmem_shared>> -> memref<448x768xf32, #tpu.memory_space<vmem_shared>>
      tpu.wait_dma2 semaphore(%run_scoped3A_3 : memref<!tpu.dma_semaphore, #tpu.memory_space<semaphore_mem>>) src(%dma_wait3A_92 : memref<448x768xf32, #tpu.memory_space<vmem_shared>>) dst(%dma_wait3A_88 : memref<448x768xf32, #tpu.memory_space<hbm>>)
      %dma_wait3A_93 = arith.constant 0 : i32
      %dma_wait3A_94 = arith.constant 3 : i32
      %dma_wait3A_95 = arith.constant 0 : i32
      %dma_wait3A_96 = tpu.memref_slice %arg2[%dma_wait3A_94, %add3A_29, %dma_wait3A_95] : memref<4x8192x768xf32, #tpu.memory_space<hbm>> -> memref<1x448x768xf32, #tpu.memory_space<hbm>>
      %dma_wait3A_97 = tpu.memref_squeeze %dma_wait3A_96 : memref<1x448x768xf32, #tpu.memory_space<hbm>> -> memref<448x768xf32, #tpu.memory_space<hbm>>
      %dma_wait3A_98 = arith.constant 0 : i32
      %dma_wait3A_99 = arith.constant 0 : i32
      %dma_wait3A_100 = tpu.memref_slice %arg3[%dma_wait3A_93, %dma_wait3A_98, %dma_wait3A_99] : memref<2x448x768xf32, #tpu.memory_space<vmem_shared>> -> memref<1x448x768xf32, #tpu.memory_space<vmem_shared>>
      %dma_wait3A_101 = tpu.memref_squeeze %dma_wait3A_100 : memref<1x448x768xf32, #tpu.memory_space<vmem_shared>> -> memref<448x768xf32, #tpu.memory_space<vmem_shared>>
      tpu.wait_dma2 semaphore(%run_scoped3A_3 : memref<!tpu.dma_semaphore, #tpu.memory_space<semaphore_mem>>) src(%dma_wait3A_101 : memref<448x768xf32, #tpu.memory_space<vmem_shared>>) dst(%dma_wait3A_97 : memref<448x768xf32, #tpu.memory_space<hbm>>)
      %add3A_102 = arith.constant 896 : i32
      %add3A_103 = arith.addi %add3A_1, %add3A_102 : i32
      %dma_start3A_104 = arith.constant 0 : i32
      %dma_start3A_105 = arith.constant 0 : i32
      %dma_start3A_106 = arith.constant 0 : i32
      %dma_start3A_107 = tpu.memref_slice %arg3[%dma_start3A_104, %dma_start3A_105, %dma_start3A_106] : memref<2x448x768xf32, #tpu.memory_space<vmem_shared>> -> memref<1x448x768xf32, #tpu.memory_space<vmem_shared>>
      %dma_start3A_108 = tpu.memref_squeeze %dma_start3A_107 : memref<1x448x768xf32, #tpu.memory_space<vmem_shared>> -> memref<448x768xf32, #tpu.memory_space<vmem_shared>>
      %dma_start3A_109 = arith.constant 0 : i32
      %dma_start3A_110 = tpu.memref_slice %arg1[%add3A_103, %dma_start3A_109] : memref<8192x768xf32, #tpu.memory_space<hbm>> -> memref<448x768xf32, #tpu.memory_space<hbm>>
      tpu.enqueue_dma source(%dma_start3A_110 : memref<448x768xf32, #tpu.memory_space<hbm>>) target(%dma_start3A_108 : memref<448x768xf32, #tpu.memory_space<vmem_shared>>) target_semaphore(%run_scoped3A : memref<!tpu.dma_semaphore, #tpu.memory_space<semaphore_mem>>)
      %dma_wait3A_111 = arith.constant 1 : i32
      %dma_wait3A_112 = arith.constant 0 : i32
      %dma_wait3A_113 = arith.constant 0 : i32
      %dma_wait3A_114 = tpu.memref_slice %arg3[%dma_wait3A_111, %dma_wait3A_112, %dma_wait3A_113] : memref<2x448x768xf32, #tpu.memory_space<vmem_shared>> -> memref<1x448x768xf32, #tpu.memory_space<vmem_shared>>
      %dma_wait3A_115 = tpu.memref_squeeze %dma_wait3A_114 : memref<1x448x768xf32, #tpu.memory_space<vmem_shared>> -> memref<448x768xf32, #tpu.memory_space<vmem_shared>>
      %dma_wait3A_116 = arith.constant 0 : i32
      %dma_wait3A_117 = tpu.memref_slice %arg1[%add3A_14, %dma_wait3A_116] : memref<8192x768xf32, #tpu.memory_space<hbm>> -> memref<448x768xf32, #tpu.memory_space<hbm>>
      tpu.wait_dma2 semaphore(%run_scoped3A_2 : memref<!tpu.dma_semaphore, #tpu.memory_space<semaphore_mem>>) src(%dma_wait3A_117 : memref<448x768xf32, #tpu.memory_space<hbm>>) dst(%dma_wait3A_115 : memref<448x768xf32, #tpu.memory_space<vmem_shared>>)
      %add3A_118 = arith.constant 448 : i32
      %add3A_119 = arith.addi %add3A_1, %add3A_118 : i32
      %dma_start3A_120 = arith.constant 1 : i32
      %dma_start3A_121 = arith.constant 0 : i32
      %dma_start3A_122 = arith.constant 0 : i32
      %dma_start3A_123 = tpu.memref_slice %arg2[%dma_start3A_121, %add3A_119, %dma_start3A_122] : memref<4x8192x768xf32, #tpu.memory_space<hbm>> -> memref<1x448x768xf32, #tpu.memory_space<hbm>>
      %dma_start3A_124 = tpu.memref_squeeze %dma_start3A_123 : memref<1x448x768xf32, #tpu.memory_space<hbm>> -> memref<448x768xf32, #tpu.memory_space<hbm>>
      %dma_start3A_125 = arith.constant 0 : i32
      %dma_start3A_126 = arith.constant 0 : i32
      %dma_start3A_127 = tpu.memref_slice %arg3[%dma_start3A_120, %dma_start3A_125, %dma_start3A_126] : memref<2x448x768xf32, #tpu.memory_space<vmem_shared>> -> memref<1x448x768xf32, #tpu.memory_space<vmem_shared>>
      %dma_start3A_128 = tpu.memref_squeeze %dma_start3A_127 : memref<1x448x768xf32, #tpu.memory_space<vmem_shared>> -> memref<448x768xf32, #tpu.memory_space<vmem_shared>>
      tpu.enqueue_dma source(%dma_start3A_128 : memref<448x768xf32, #tpu.memory_space<vmem_shared>>) target(%dma_start3A_124 : memref<448x768xf32, #tpu.memory_space<hbm>>) target_semaphore(%run_scoped3A_4 : memref<!tpu.dma_semaphore, #tpu.memory_space<semaphore_mem>>)
      %dma_start3A_129 = arith.constant 1 : i32
      %dma_start3A_130 = arith.constant 1 : i32
      %dma_start3A_131 = arith.constant 0 : i32
      %dma_start3A_132 = tpu.memref_slice %arg2[%dma_start3A_130, %add3A_119, %dma_start3A_131] : memref<4x8192x768xf32, #tpu.memory_space<hbm>> -> memref<1x448x768xf32, #tpu.memory_space<hbm>>
      %dma_start3A_133 = tpu.memref_squeeze %dma_start3A_132 : memref<1x448x768xf32, #tpu.memory_space<hbm>> -> memref<448x768xf32, #tpu.memory_space<hbm>>
      %dma_start3A_134 = arith.constant 0 : i32
      %dma_start3A_135 = arith.constant 0 : i32
      %dma_start3A_136 = tpu.memref_slice %arg3[%dma_start3A_129, %dma_start3A_134, %dma_start3A_135] : memref<2x448x768xf32, #tpu.memory_space<vmem_shared>> -> memref<1x448x768xf32, #tpu.memory_space<vmem_shared>>
      %dma_start3A_137 = tpu.memref_squeeze %dma_start3A_136 : memref<1x448x768xf32, #tpu.memory_space<vmem_shared>> -> memref<448x768xf32, #tpu.memory_space<vmem_shared>>
      tpu.enqueue_dma source(%dma_start3A_137 : memref<448x768xf32, #tpu.memory_space<vmem_shared>>) target(%dma_start3A_133 : memref<448x768xf32, #tpu.memory_space<hbm>>) target_semaphore(%run_scoped3A_4 : memref<!tpu.dma_semaphore, #tpu.memory_space<semaphore_mem>>)
      %dma_start3A_138 = arith.constant 1 : i32
      %dma_start3A_139 = arith.constant 2 : i32
      %dma_start3A_140 = arith.constant 0 : i32
      %dma_start3A_141 = tpu.memref_slice %arg2[%dma_start3A_139, %add3A_119, %dma_start3A_140] : memref<4x8192x768xf32, #tpu.memory_space<hbm>> -> memref<1x448x768xf32, #tpu.memory_space<hbm>>
      %dma_start3A_142 = tpu.memref_squeeze %dma_start3A_141 : memref<1x448x768xf32, #tpu.memory_space<hbm>> -> memref<448x768xf32, #tpu.memory_space<hbm>>
      %dma_start3A_143 = arith.constant 0 : i32
      %dma_start3A_144 = arith.constant 0 : i32
      %dma_start3A_145 = tpu.memref_slice %arg3[%dma_start3A_138, %dma_start3A_143, %dma_start3A_144] : memref<2x448x768xf32, #tpu.memory_space<vmem_shared>> -> memref<1x448x768xf32, #tpu.memory_space<vmem_shared>>
      %dma_start3A_146 = tpu.memref_squeeze %dma_start3A_145 : memref<1x448x768xf32, #tpu.memory_space<vmem_shared>> -> memref<448x768xf32, #tpu.memory_space<vmem_shared>>
      tpu.enqueue_dma source(%dma_start3A_146 : memref<448x768xf32, #tpu.memory_space<vmem_shared>>) target(%dma_start3A_142 : memref<448x768xf32, #tpu.memory_space<hbm>>) target_semaphore(%run_scoped3A_4 : memref<!tpu.dma_semaphore, #tpu.memory_space<semaphore_mem>>)
      %dma_start3A_147 = arith.constant 1 : i32
      %dma_start3A_148 = arith.constant 3 : i32
      %dma_start3A_149 = arith.constant 0 : i32
      %dma_start3A_150 = tpu.memref_slice %arg2[%dma_start3A_148, %add3A_119, %dma_start3A_149] : memref<4x8192x768xf32, #tpu.memory_space<hbm>> -> memref<1x448x768xf32, #tpu.memory_space<hbm>>
      %dma_start3A_151 = tpu.memref_squeeze %dma_start3A_150 : memref<1x448x768xf32, #tpu.memory_space<hbm>> -> memref<448x768xf32, #tpu.memory_space<hbm>>
      %dma_start3A_152 = arith.constant 0 : i32
      %dma_start3A_153 = arith.constant 0 : i32
      %dma_start3A_154 = tpu.memref_slice %arg3[%dma_start3A_147, %dma_start3A_152, %dma_start3A_153] : memref<2x448x768xf32, #tpu.memory_space<vmem_shared>> -> memref<1x448x768xf32, #tpu.memory_space<vmem_shared>>
      %dma_start3A_155 = tpu.memref_squeeze %dma_start3A_154 : memref<1x448x768xf32, #tpu.memory_space<vmem_shared>> -> memref<448x768xf32, #tpu.memory_space<vmem_shared>>
      tpu.enqueue_dma source(%dma_start3A_155 : memref<448x768xf32, #tpu.memory_space<vmem_shared>>) target(%dma_start3A_151 : memref<448x768xf32, #tpu.memory_space<hbm>>) target_semaphore(%run_scoped3A_4 : memref<!tpu.dma_semaphore, #tpu.memory_space<semaphore_mem>>)
      %dma_wait3A_156 = arith.constant 1 : i32
      %dma_wait3A_157 = arith.constant 0 : i32
      %dma_wait3A_158 = arith.constant 0 : i32
      %dma_wait3A_159 = tpu.memref_slice %arg2[%dma_wait3A_157, %add3A_119, %dma_wait3A_158] : memref<4x8192x768xf32, #tpu.memory_space<hbm>> -> memref<1x448x768xf32, #tpu.memory_space<hbm>>
      %dma_wait3A_160 = tpu.memref_squeeze %dma_wait3A_159 : memref<1x448x768xf32, #tpu.memory_space<hbm>> -> memref<448x768xf32, #tpu.memory_space<hbm>>
      %dma_wait3A_161 = arith.constant 0 : i32
      %dma_wait3A_162 = arith.constant 0 : i32
      %dma_wait3A_163 = tpu.memref_slice %arg3[%dma_wait3A_156, %dma_wait3A_161, %dma_wait3A_162] : memref<2x448x768xf32, #tpu.memory_space<vmem_shared>> -> memref<1x448x768xf32, #tpu.memory_space<vmem_shared>>
      %dma_wait3A_164 = tpu.memref_squeeze %dma_wait3A_163 : memref<1x448x768xf32, #tpu.memory_space<vmem_shared>> -> memref<448x768xf32, #tpu.memory_space<vmem_shared>>
      tpu.wait_dma2 semaphore(%run_scoped3A_4 : memref<!tpu.dma_semaphore, #tpu.memory_space<semaphore_mem>>) src(%dma_wait3A_164 : memref<448x768xf32, #tpu.memory_space<vmem_shared>>) dst(%dma_wait3A_160 : memref<448x768xf32, #tpu.memory_space<hbm>>)
      %dma_wait3A_165 = arith.constant 1 : i32
      %dma_wait3A_166 = arith.constant 1 : i32
      %dma_wait3A_167 = arith.constant 0 : i32
      %dma_wait3A_168 = tpu.memref_slice %arg2[%dma_wait3A_166, %add3A_119, %dma_wait3A_167] : memref<4x8192x768xf32, #tpu.memory_space<hbm>> -> memref<1x448x768xf32, #tpu.memory_space<hbm>>
      %dma_wait3A_169 = tpu.memref_squeeze %dma_wait3A_168 : memref<1x448x768xf32, #tpu.memory_space<hbm>> -> memref<448x768xf32, #tpu.memory_space<hbm>>
      %dma_wait3A_170 = arith.constant 0 : i32
      %dma_wait3A_171 = arith.constant 0 : i32
      %dma_wait3A_172 = tpu.memref_slice %arg3[%dma_wait3A_165, %dma_wait3A_170, %dma_wait3A_171] : memref<2x448x768xf32, #tpu.memory_space<vmem_shared>> -> memref<1x448x768xf32, #tpu.memory_space<vmem_shared>>
      %dma_wait3A_173 = tpu.memref_squeeze %dma_wait3A_172 : memref<1x448x768xf32, #tpu.memory_space<vmem_shared>> -> memref<448x768xf32, #tpu.memory_space<vmem_shared>>
      tpu.wait_dma2 semaphore(%run_scoped3A_4 : memref<!tpu.dma_semaphore, #tpu.memory_space<semaphore_mem>>) src(%dma_wait3A_173 : memref<448x768xf32, #tpu.memory_space<vmem_shared>>) dst(%dma_wait3A_169 : memref<448x768xf32, #tpu.memory_space<hbm>>)
      %dma_wait3A_174 = arith.constant 1 : i32
      %dma_wait3A_175 = arith.constant 2 : i32
      %dma_wait3A_176 = arith.constant 0 : i32
      %dma_wait3A_177 = tpu.memref_slice %arg2[%dma_wait3A_175, %add3A_119, %dma_wait3A_176] : memref<4x8192x768xf32, #tpu.memory_space<hbm>> -> memref<1x448x768xf32, #tpu.memory_space<hbm>>
      %dma_wait3A_178 = tpu.memref_squeeze %dma_wait3A_177 : memref<1x448x768xf32, #tpu.memory_space<hbm>> -> memref<448x768xf32, #tpu.memory_space<hbm>>
      %dma_wait3A_179 = arith.constant 0 : i32
      %dma_wait3A_180 = arith.constant 0 : i32
      %dma_wait3A_181 = tpu.memref_slice %arg3[%dma_wait3A_174, %dma_wait3A_179, %dma_wait3A_180] : memref<2x448x768xf32, #tpu.memory_space<vmem_shared>> -> memref<1x448x768xf32, #tpu.memory_space<vmem_shared>>
      %dma_wait3A_182 = tpu.memref_squeeze %dma_wait3A_181 : memref<1x448x768xf32, #tpu.memory_space<vmem_shared>> -> memref<448x768xf32, #tpu.memory_space<vmem_shared>>
      tpu.wait_dma2 semaphore(%run_scoped3A_4 : memref<!tpu.dma_semaphore, #tpu.memory_space<semaphore_mem>>) src(%dma_wait3A_182 : memref<448x768xf32, #tpu.memory_space<vmem_shared>>) dst(%dma_wait3A_178 : memref<448x768xf32, #tpu.memory_space<hbm>>)
      %dma_wait3A_183 = arith.constant 1 : i32
      %dma_wait3A_184 = arith.constant 3 : i32
      %dma_wait3A_185 = arith.constant 0 : i32
      %dma_wait3A_186 = tpu.memref_slice %arg2[%dma_wait3A_184, %add3A_119, %dma_wait3A_185] : memref<4x8192x768xf32, #tpu.memory_space<hbm>> -> memref<1x448x768xf32, #tpu.memory_space<hbm>>
      %dma_wait3A_187 = tpu.memref_squeeze %dma_wait3A_186 : memref<1x448x768xf32, #tpu.memory_space<hbm>> -> memref<448x768xf32, #tpu.memory_space<hbm>>
      %dma_wait3A_188 = arith.constant 0 : i32
      %dma_wait3A_189 = arith.constant 0 : i32
      %dma_wait3A_190 = tpu.memref_slice %arg3[%dma_wait3A_183, %dma_wait3A_188, %dma_wait3A_189] : memref<2x448x768xf32, #tpu.memory_space<vmem_shared>> -> memref<1x448x768xf32, #tpu.memory_space<vmem_shared>>
      %dma_wait3A_191 = tpu.memref_squeeze %dma_wait3A_190 : memref<1x448x768xf32, #tpu.memory_space<vmem_shared>> -> memref<448x768xf32, #tpu.memory_space<vmem_shared>>
      tpu.wait_dma2 semaphore(%run_scoped3A_4 : memref<!tpu.dma_semaphore, #tpu.memory_space<semaphore_mem>>) src(%dma_wait3A_191 : memref<448x768xf32, #tpu.memory_space<vmem_shared>>) dst(%dma_wait3A_187 : memref<448x768xf32, #tpu.memory_space<hbm>>)
      %add3A_192 = arith.constant 1344 : i32
      %add3A_193 = arith.addi %add3A_1, %add3A_192 : i32
      %dma_start3A_194 = arith.constant 1 : i32
      %dma_start3A_195 = arith.constant 0 : i32
      %dma_start3A_196 = arith.constant 0 : i32
      %dma_start3A_197 = tpu.memref_slice %arg3[%dma_start3A_194, %dma_start3A_195, %dma_start3A_196] : memref<2x448x768xf32, #tpu.memory_space<vmem_shared>> -> memref<1x448x768xf32, #tpu.memory_space<vmem_shared>>
      %dma_start3A_198 = tpu.memref_squeeze %dma_start3A_197 : memref<1x448x768xf32, #tpu.memory_space<vmem_shared>> -> memref<448x768xf32, #tpu.memory_space<vmem_shared>>
      %dma_start3A_199 = arith.constant 0 : i32
      %dma_start3A_200 = tpu.memref_slice %arg1[%add3A_193, %dma_start3A_199] : memref<8192x768xf32, #tpu.memory_space<hbm>> -> memref<448x768xf32, #tpu.memory_space<hbm>>
      tpu.enqueue_dma source(%dma_start3A_200 : memref<448x768xf32, #tpu.memory_space<hbm>>) target(%dma_start3A_198 : memref<448x768xf32, #tpu.memory_space<vmem_shared>>) target_semaphore(%run_scoped3A_2 : memref<!tpu.dma_semaphore, #tpu.memory_space<semaphore_mem>>)
      %dma_wait3A_201 = arith.constant 0 : i32
      %dma_wait3A_202 = arith.constant 0 : i32
      %dma_wait3A_203 = arith.constant 0 : i32
      %dma_wait3A_204 = tpu.memref_slice %arg3[%dma_wait3A_201, %dma_wait3A_202, %dma_wait3A_203] : memref<2x448x768xf32, #tpu.memory_space<vmem_shared>> -> memref<1x448x768xf32, #tpu.memory_space<vmem_shared>>
      %dma_wait3A_205 = tpu.memref_squeeze %dma_wait3A_204 : memref<1x448x768xf32, #tpu.memory_space<vmem_shared>> -> memref<448x768xf32, #tpu.memory_space<vmem_shared>>
      %dma_wait3A_206 = arith.constant 0 : i32
      %dma_wait3A_207 = tpu.memref_slice %arg1[%add3A_103, %dma_wait3A_206] : memref<8192x768xf32, #tpu.memory_space<hbm>> -> memref<448x768xf32, #tpu.memory_space<hbm>>
      tpu.wait_dma2 semaphore(%run_scoped3A : memref<!tpu.dma_semaphore, #tpu.memory_space<semaphore_mem>>) src(%dma_wait3A_207 : memref<448x768xf32, #tpu.memory_space<hbm>>) dst(%dma_wait3A_205 : memref<448x768xf32, #tpu.memory_space<vmem_shared>>)
      %add3A_208 = arith.constant 896 : i32
      %add3A_209 = arith.addi %add3A_1, %add3A_208 : i32
      %dma_start3A_210 = arith.constant 0 : i32
      %dma_start3A_211 = arith.constant 0 : i32
      %dma_start3A_212 = arith.constant 0 : i32
      %dma_start3A_213 = tpu.memref_slice %arg2[%dma_start3A_211, %add3A_209, %dma_start3A_212] : memref<4x8192x768xf32, #tpu.memory_space<hbm>> -> memref<1x448x768xf32, #tpu.memory_space<hbm>>
      %dma_start3A_214 = tpu.memref_squeeze %dma_start3A_213 : memref<1x448x768xf32, #tpu.memory_space<hbm>> -> memref<448x768xf32, #tpu.memory_space<hbm>>
      %dma_start3A_215 = arith.constant 0 : i32
      %dma_start3A_216 = arith.constant 0 : i32
      %dma_start3A_217 = tpu.memref_slice %arg3[%dma_start3A_210, %dma_start3A_215, %dma_start3A_216] : memref<2x448x768xf32, #tpu.memory_space<vmem_shared>> -> memref<1x448x768xf32, #tpu.memory_space<vmem_shared>>
      %dma_start3A_218 = tpu.memref_squeeze %dma_start3A_217 : memref<1x448x768xf32, #tpu.memory_space<vmem_shared>> -> memref<448x768xf32, #tpu.memory_space<vmem_shared>>
      tpu.enqueue_dma source(%dma_start3A_218 : memref<448x768xf32, #tpu.memory_space<vmem_shared>>) target(%dma_start3A_214 : memref<448x768xf32, #tpu.memory_space<hbm>>) target_semaphore(%run_scoped3A_3 : memref<!tpu.dma_semaphore, #tpu.memory_space<semaphore_mem>>)
      %dma_start3A_219 = arith.constant 0 : i32
      %dma_start3A_220 = arith.constant 1 : i32
      %dma_start3A_221 = arith.constant 0 : i32
      %dma_start3A_222 = tpu.memref_slice %arg2[%dma_start3A_220, %add3A_209, %dma_start3A_221] : memref<4x8192x768xf32, #tpu.memory_space<hbm>> -> memref<1x448x768xf32, #tpu.memory_space<hbm>>
      %dma_start3A_223 = tpu.memref_squeeze %dma_start3A_222 : memref<1x448x768xf32, #tpu.memory_space<hbm>> -> memref<448x768xf32, #tpu.memory_space<hbm>>
      %dma_start3A_224 = arith.constant 0 : i32
      %dma_start3A_225 = arith.constant 0 : i32
      %dma_start3A_226 = tpu.memref_slice %arg3[%dma_start3A_219, %dma_start3A_224, %dma_start3A_225] : memref<2x448x768xf32, #tpu.memory_space<vmem_shared>> -> memref<1x448x768xf32, #tpu.memory_space<vmem_shared>>
      %dma_start3A_227 = tpu.memref_squeeze %dma_start3A_226 : memref<1x448x768xf32, #tpu.memory_space<vmem_shared>> -> memref<448x768xf32, #tpu.memory_space<vmem_shared>>
      tpu.enqueue_dma source(%dma_start3A_227 : memref<448x768xf32, #tpu.memory_space<vmem_shared>>) target(%dma_start3A_223 : memref<448x768xf32, #tpu.memory_space<hbm>>) target_semaphore(%run_scoped3A_3 : memref<!tpu.dma_semaphore, #tpu.memory_space<semaphore_mem>>)
      %dma_start3A_228 = arith.constant 0 : i32
      %dma_start3A_229 = arith.constant 2 : i32
      %dma_start3A_230 = arith.constant 0 : i32
      %dma_start3A_231 = tpu.memref_slice %arg2[%dma_start3A_229, %add3A_209, %dma_start3A_230] : memref<4x8192x768xf32, #tpu.memory_space<hbm>> -> memref<1x448x768xf32, #tpu.memory_space<hbm>>
      %dma_start3A_232 = tpu.memref_squeeze %dma_start3A_231 : memref<1x448x768xf32, #tpu.memory_space<hbm>> -> memref<448x768xf32, #tpu.memory_space<hbm>>
      %dma_start3A_233 = arith.constant 0 : i32
      %dma_start3A_234 = arith.constant 0 : i32
      %dma_start3A_235 = tpu.memref_slice %arg3[%dma_start3A_228, %dma_start3A_233, %dma_start3A_234] : memref<2x448x768xf32, #tpu.memory_space<vmem_shared>> -> memref<1x448x768xf32, #tpu.memory_space<vmem_shared>>
      %dma_start3A_236 = tpu.memref_squeeze %dma_start3A_235 : memref<1x448x768xf32, #tpu.memory_space<vmem_shared>> -> memref<448x768xf32, #tpu.memory_space<vmem_shared>>
      tpu.enqueue_dma source(%dma_start3A_236 : memref<448x768xf32, #tpu.memory_space<vmem_shared>>) target(%dma_start3A_232 : memref<448x768xf32, #tpu.memory_space<hbm>>) target_semaphore(%run_scoped3A_3 : memref<!tpu.dma_semaphore, #tpu.memory_space<semaphore_mem>>)
      %dma_start3A_237 = arith.constant 0 : i32
      %dma_start3A_238 = arith.constant 3 : i32
      %dma_start3A_239 = arith.constant 0 : i32
      %dma_start3A_240 = tpu.memref_slice %arg2[%dma_start3A_238, %add3A_209, %dma_start3A_239] : memref<4x8192x768xf32, #tpu.memory_space<hbm>> -> memref<1x448x768xf32, #tpu.memory_space<hbm>>
      %dma_start3A_241 = tpu.memref_squeeze %dma_start3A_240 : memref<1x448x768xf32, #tpu.memory_space<hbm>> -> memref<448x768xf32, #tpu.memory_space<hbm>>
      %dma_start3A_242 = arith.constant 0 : i32
      %dma_start3A_243 = arith.constant 0 : i32
      %dma_start3A_244 = tpu.memref_slice %arg3[%dma_start3A_237, %dma_start3A_242, %dma_start3A_243] : memref<2x448x768xf32, #tpu.memory_space<vmem_shared>> -> memref<1x448x768xf32, #tpu.memory_space<vmem_shared>>
      %dma_start3A_245 = tpu.memref_squeeze %dma_start3A_244 : memref<1x448x768xf32, #tpu.memory_space<vmem_shared>> -> memref<448x768xf32, #tpu.memory_space<vmem_shared>>
      tpu.enqueue_dma source(%dma_start3A_245 : memref<448x768xf32, #tpu.memory_space<vmem_shared>>) target(%dma_start3A_241 : memref<448x768xf32, #tpu.memory_space<hbm>>) target_semaphore(%run_scoped3A_3 : memref<!tpu.dma_semaphore, #tpu.memory_space<semaphore_mem>>)
      %dma_wait3A_246 = arith.constant 1 : i32
      %dma_wait3A_247 = arith.constant 0 : i32
      %dma_wait3A_248 = arith.constant 0 : i32
      %dma_wait3A_249 = tpu.memref_slice %arg3[%dma_wait3A_246, %dma_wait3A_247, %dma_wait3A_248] : memref<2x448x768xf32, #tpu.memory_space<vmem_shared>> -> memref<1x448x768xf32, #tpu.memory_space<vmem_shared>>
      %dma_wait3A_250 = tpu.memref_squeeze %dma_wait3A_249 : memref<1x448x768xf32, #tpu.memory_space<vmem_shared>> -> memref<448x768xf32, #tpu.memory_space<vmem_shared>>
      %dma_wait3A_251 = arith.constant 0 : i32
      %dma_wait3A_252 = tpu.memref_slice %arg1[%add3A_193, %dma_wait3A_251] : memref<8192x768xf32, #tpu.memory_space<hbm>> -> memref<448x768xf32, #tpu.memory_space<hbm>>
      tpu.wait_dma2 semaphore(%run_scoped3A_2 : memref<!tpu.dma_semaphore, #tpu.memory_space<semaphore_mem>>) src(%dma_wait3A_252 : memref<448x768xf32, #tpu.memory_space<hbm>>) dst(%dma_wait3A_250 : memref<448x768xf32, #tpu.memory_space<vmem_shared>>)
      %add3A_253 = arith.constant 1344 : i32
      %add3A_254 = arith.addi %add3A_1, %add3A_253 : i32
      %dma_start3A_255 = arith.constant 1 : i32
      %dma_start3A_256 = arith.constant 0 : i32
      %dma_start3A_257 = arith.constant 0 : i32
      %dma_start3A_258 = tpu.memref_slice %arg2[%dma_start3A_256, %add3A_254, %dma_start3A_257] : memref<4x8192x768xf32, #tpu.memory_space<hbm>> -> memref<1x448x768xf32, #tpu.memory_space<hbm>>
      %dma_start3A_259 = tpu.memref_squeeze %dma_start3A_258 : memref<1x448x768xf32, #tpu.memory_space<hbm>> -> memref<448x768xf32, #tpu.memory_space<hbm>>
      %dma_start3A_260 = arith.constant 0 : i32
      %dma_start3A_261 = arith.constant 0 : i32
      %dma_start3A_262 = tpu.memref_slice %arg3[%dma_start3A_255, %dma_start3A_260, %dma_start3A_261] : memref<2x448x768xf32, #tpu.memory_space<vmem_shared>> -> memref<1x448x768xf32, #tpu.memory_space<vmem_shared>>
      %dma_start3A_263 = tpu.memref_squeeze %dma_start3A_262 : memref<1x448x768xf32, #tpu.memory_space<vmem_shared>> -> memref<448x768xf32, #tpu.memory_space<vmem_shared>>
      tpu.enqueue_dma source(%dma_start3A_263 : memref<448x768xf32, #tpu.memory_space<vmem_shared>>) target(%dma_start3A_259 : memref<448x768xf32, #tpu.memory_space<hbm>>) target_semaphore(%run_scoped3A_4 : memref<!tpu.dma_semaphore, #tpu.memory_space<semaphore_mem>>)
      %dma_start3A_264 = arith.constant 1 : i32
      %dma_start3A_265 = arith.constant 1 : i32
      %dma_start3A_266 = arith.constant 0 : i32
      %dma_start3A_267 = tpu.memref_slice %arg2[%dma_start3A_265, %add3A_254, %dma_start3A_266] : memref<4x8192x768xf32, #tpu.memory_space<hbm>> -> memref<1x448x768xf32, #tpu.memory_space<hbm>>
      %dma_start3A_268 = tpu.memref_squeeze %dma_start3A_267 : memref<1x448x768xf32, #tpu.memory_space<hbm>> -> memref<448x768xf32, #tpu.memory_space<hbm>>
      %dma_start3A_269 = arith.constant 0 : i32
      %dma_start3A_270 = arith.constant 0 : i32
      %dma_start3A_271 = tpu.memref_slice %arg3[%dma_start3A_264, %dma_start3A_269, %dma_start3A_270] : memref<2x448x768xf32, #tpu.memory_space<vmem_shared>> -> memref<1x448x768xf32, #tpu.memory_space<vmem_shared>>
      %dma_start3A_272 = tpu.memref_squeeze %dma_start3A_271 : memref<1x448x768xf32, #tpu.memory_space<vmem_shared>> -> memref<448x768xf32, #tpu.memory_space<vmem_shared>>
      tpu.enqueue_dma source(%dma_start3A_272 : memref<448x768xf32, #tpu.memory_space<vmem_shared>>) target(%dma_start3A_268 : memref<448x768xf32, #tpu.memory_space<hbm>>) target_semaphore(%run_scoped3A_4 : memref<!tpu.dma_semaphore, #tpu.memory_space<semaphore_mem>>)
      %dma_start3A_273 = arith.constant 1 : i32
      %dma_start3A_274 = arith.constant 2 : i32
      %dma_start3A_275 = arith.constant 0 : i32
      %dma_start3A_276 = tpu.memref_slice %arg2[%dma_start3A_274, %add3A_254, %dma_start3A_275] : memref<4x8192x768xf32, #tpu.memory_space<hbm>> -> memref<1x448x768xf32, #tpu.memory_space<hbm>>
      %dma_start3A_277 = tpu.memref_squeeze %dma_start3A_276 : memref<1x448x768xf32, #tpu.memory_space<hbm>> -> memref<448x768xf32, #tpu.memory_space<hbm>>
      %dma_start3A_278 = arith.constant 0 : i32
      %dma_start3A_279 = arith.constant 0 : i32
      %dma_start3A_280 = tpu.memref_slice %arg3[%dma_start3A_273, %dma_start3A_278, %dma_start3A_279] : memref<2x448x768xf32, #tpu.memory_space<vmem_shared>> -> memref<1x448x768xf32, #tpu.memory_space<vmem_shared>>
      %dma_start3A_281 = tpu.memref_squeeze %dma_start3A_280 : memref<1x448x768xf32, #tpu.memory_space<vmem_shared>> -> memref<448x768xf32, #tpu.memory_space<vmem_shared>>
      tpu.enqueue_dma source(%dma_start3A_281 : memref<448x768xf32, #tpu.memory_space<vmem_shared>>) target(%dma_start3A_277 : memref<448x768xf32, #tpu.memory_space<hbm>>) target_semaphore(%run_scoped3A_4 : memref<!tpu.dma_semaphore, #tpu.memory_space<semaphore_mem>>)
      %dma_start3A_282 = arith.constant 1 : i32
      %dma_start3A_283 = arith.constant 3 : i32
      %dma_start3A_284 = arith.constant 0 : i32
      %dma_start3A_285 = tpu.memref_slice %arg2[%dma_start3A_283, %add3A_254, %dma_start3A_284] : memref<4x8192x768xf32, #tpu.memory_space<hbm>> -> memref<1x448x768xf32, #tpu.memory_space<hbm>>
      %dma_start3A_286 = tpu.memref_squeeze %dma_start3A_285 : memref<1x448x768xf32, #tpu.memory_space<hbm>> -> memref<448x768xf32, #tpu.memory_space<hbm>>
      %dma_start3A_287 = arith.constant 0 : i32
      %dma_start3A_288 = arith.constant 0 : i32
      %dma_start3A_289 = tpu.memref_slice %arg3[%dma_start3A_282, %dma_start3A_287, %dma_start3A_288] : memref<2x448x768xf32, #tpu.memory_space<vmem_shared>> -> memref<1x448x768xf32, #tpu.memory_space<vmem_shared>>
      %dma_start3A_290 = tpu.memref_squeeze %dma_start3A_289 : memref<1x448x768xf32, #tpu.memory_space<vmem_shared>> -> memref<448x768xf32, #tpu.memory_space<vmem_shared>>
      tpu.enqueue_dma source(%dma_start3A_290 : memref<448x768xf32, #tpu.memory_space<vmem_shared>>) target(%dma_start3A_286 : memref<448x768xf32, #tpu.memory_space<hbm>>) target_semaphore(%run_scoped3A_4 : memref<!tpu.dma_semaphore, #tpu.memory_space<semaphore_mem>>)
      %dma_wait3A_291 = arith.constant 0 : i32
      %dma_wait3A_292 = arith.constant 0 : i32
      %dma_wait3A_293 = arith.constant 0 : i32
      %dma_wait3A_294 = tpu.memref_slice %arg2[%dma_wait3A_292, %add3A_209, %dma_wait3A_293] : memref<4x8192x768xf32, #tpu.memory_space<hbm>> -> memref<1x448x768xf32, #tpu.memory_space<hbm>>
      %dma_wait3A_295 = tpu.memref_squeeze %dma_wait3A_294 : memref<1x448x768xf32, #tpu.memory_space<hbm>> -> memref<448x768xf32, #tpu.memory_space<hbm>>
      %dma_wait3A_296 = arith.constant 0 : i32
      %dma_wait3A_297 = arith.constant 0 : i32
      %dma_wait3A_298 = tpu.memref_slice %arg3[%dma_wait3A_291, %dma_wait3A_296, %dma_wait3A_297] : memref<2x448x768xf32, #tpu.memory_space<vmem_shared>> -> memref<1x448x768xf32, #tpu.memory_space<vmem_shared>>
      %dma_wait3A_299 = tpu.memref_squeeze %dma_wait3A_298 : memref<1x448x768xf32, #tpu.memory_space<vmem_shared>> -> memref<448x768xf32, #tpu.memory_space<vmem_shared>>
      tpu.wait_dma2 semaphore(%run_scoped3A_3 : memref<!tpu.dma_semaphore, #tpu.memory_space<semaphore_mem>>) src(%dma_wait3A_299 : memref<448x768xf32, #tpu.memory_space<vmem_shared>>) dst(%dma_wait3A_295 : memref<448x768xf32, #tpu.memory_space<hbm>>)
      %dma_wait3A_300 = arith.constant 0 : i32
      %dma_wait3A_301 = arith.constant 1 : i32
      %dma_wait3A_302 = arith.constant 0 : i32
      %dma_wait3A_303 = tpu.memref_slice %arg2[%dma_wait3A_301, %add3A_209, %dma_wait3A_302] : memref<4x8192x768xf32, #tpu.memory_space<hbm>> -> memref<1x448x768xf32, #tpu.memory_space<hbm>>
      %dma_wait3A_304 = tpu.memref_squeeze %dma_wait3A_303 : memref<1x448x768xf32, #tpu.memory_space<hbm>> -> memref<448x768xf32, #tpu.memory_space<hbm>>
      %dma_wait3A_305 = arith.constant 0 : i32
      %dma_wait3A_306 = arith.constant 0 : i32
      %dma_wait3A_307 = tpu.memref_slice %arg3[%dma_wait3A_300, %dma_wait3A_305, %dma_wait3A_306] : memref<2x448x768xf32, #tpu.memory_space<vmem_shared>> -> memref<1x448x768xf32, #tpu.memory_space<vmem_shared>>
      %dma_wait3A_308 = tpu.memref_squeeze %dma_wait3A_307 : memref<1x448x768xf32, #tpu.memory_space<vmem_shared>> -> memref<448x768xf32, #tpu.memory_space<vmem_shared>>
      tpu.wait_dma2 semaphore(%run_scoped3A_3 : memref<!tpu.dma_semaphore, #tpu.memory_space<semaphore_mem>>) src(%dma_wait3A_308 : memref<448x768xf32, #tpu.memory_space<vmem_shared>>) dst(%dma_wait3A_304 : memref<448x768xf32, #tpu.memory_space<hbm>>)
      %dma_wait3A_309 = arith.constant 0 : i32
      %dma_wait3A_310 = arith.constant 2 : i32
      %dma_wait3A_311 = arith.constant 0 : i32
      %dma_wait3A_312 = tpu.memref_slice %arg2[%dma_wait3A_310, %add3A_209, %dma_wait3A_311] : memref<4x8192x768xf32, #tpu.memory_space<hbm>> -> memref<1x448x768xf32, #tpu.memory_space<hbm>>
      %dma_wait3A_313 = tpu.memref_squeeze %dma_wait3A_312 : memref<1x448x768xf32, #tpu.memory_space<hbm>> -> memref<448x768xf32, #tpu.memory_space<hbm>>
      %dma_wait3A_314 = arith.constant 0 : i32
      %dma_wait3A_315 = arith.constant 0 : i32
      %dma_wait3A_316 = tpu.memref_slice %arg3[%dma_wait3A_309, %dma_wait3A_314, %dma_wait3A_315] : memref<2x448x768xf32, #tpu.memory_space<vmem_shared>> -> memref<1x448x768xf32, #tpu.memory_space<vmem_shared>>
      %dma_wait3A_317 = tpu.memref_squeeze %dma_wait3A_316 : memref<1x448x768xf32, #tpu.memory_space<vmem_shared>> -> memref<448x768xf32, #tpu.memory_space<vmem_shared>>
      tpu.wait_dma2 semaphore(%run_scoped3A_3 : memref<!tpu.dma_semaphore, #tpu.memory_space<semaphore_mem>>) src(%dma_wait3A_317 : memref<448x768xf32, #tpu.memory_space<vmem_shared>>) dst(%dma_wait3A_313 : memref<448x768xf32, #tpu.memory_space<hbm>>)
      %dma_wait3A_318 = arith.constant 0 : i32
      %dma_wait3A_319 = arith.constant 3 : i32
      %dma_wait3A_320 = arith.constant 0 : i32
      %dma_wait3A_321 = tpu.memref_slice %arg2[%dma_wait3A_319, %add3A_209, %dma_wait3A_320] : memref<4x8192x768xf32, #tpu.memory_space<hbm>> -> memref<1x448x768xf32, #tpu.memory_space<hbm>>
      %dma_wait3A_322 = tpu.memref_squeeze %dma_wait3A_321 : memref<1x448x768xf32, #tpu.memory_space<hbm>> -> memref<448x768xf32, #tpu.memory_space<hbm>>
      %dma_wait3A_323 = arith.constant 0 : i32
      %dma_wait3A_324 = arith.constant 0 : i32
      %dma_wait3A_325 = tpu.memref_slice %arg3[%dma_wait3A_318, %dma_wait3A_323, %dma_wait3A_324] : memref<2x448x768xf32, #tpu.memory_space<vmem_shared>> -> memref<1x448x768xf32, #tpu.memory_space<vmem_shared>>
      %dma_wait3A_326 = tpu.memref_squeeze %dma_wait3A_325 : memref<1x448x768xf32, #tpu.memory_space<vmem_shared>> -> memref<448x768xf32, #tpu.memory_space<vmem_shared>>
      tpu.wait_dma2 semaphore(%run_scoped3A_3 : memref<!tpu.dma_semaphore, #tpu.memory_space<semaphore_mem>>) src(%dma_wait3A_326 : memref<448x768xf32, #tpu.memory_space<vmem_shared>>) dst(%dma_wait3A_322 : memref<448x768xf32, #tpu.memory_space<hbm>>)
      %dma_wait3A_327 = arith.constant 1 : i32
      %dma_wait3A_328 = arith.constant 0 : i32
      %dma_wait3A_329 = arith.constant 0 : i32
      %dma_wait3A_330 = tpu.memref_slice %arg2[%dma_wait3A_328, %add3A_254, %dma_wait3A_329] : memref<4x8192x768xf32, #tpu.memory_space<hbm>> -> memref<1x448x768xf32, #tpu.memory_space<hbm>>
      %dma_wait3A_331 = tpu.memref_squeeze %dma_wait3A_330 : memref<1x448x768xf32, #tpu.memory_space<hbm>> -> memref<448x768xf32, #tpu.memory_space<hbm>>
      %dma_wait3A_332 = arith.constant 0 : i32
      %dma_wait3A_333 = arith.constant 0 : i32
      %dma_wait3A_334 = tpu.memref_slice %arg3[%dma_wait3A_327, %dma_wait3A_332, %dma_wait3A_333] : memref<2x448x768xf32, #tpu.memory_space<vmem_shared>> -> memref<1x448x768xf32, #tpu.memory_space<vmem_shared>>
      %dma_wait3A_335 = tpu.memref_squeeze %dma_wait3A_334 : memref<1x448x768xf32, #tpu.memory_space<vmem_shared>> -> memref<448x768xf32, #tpu.memory_space<vmem_shared>>
      tpu.wait_dma2 semaphore(%run_scoped3A_4 : memref<!tpu.dma_semaphore, #tpu.memory_space<semaphore_mem>>) src(%dma_wait3A_335 : memref<448x768xf32, #tpu.memory_space<vmem_shared>>) dst(%dma_wait3A_331 : memref<448x768xf32, #tpu.memory_space<hbm>>)
      %dma_wait3A_336 = arith.constant 1 : i32
      %dma_wait3A_337 = arith.constant 1 : i32
      %dma_wait3A_338 = arith.constant 0 : i32
      %dma_wait3A_339 = tpu.memref_slice %arg2[%dma_wait3A_337, %add3A_254, %dma_wait3A_338] : memref<4x8192x768xf32, #tpu.memory_space<hbm>> -> memref<1x448x768xf32, #tpu.memory_space<hbm>>
      %dma_wait3A_340 = tpu.memref_squeeze %dma_wait3A_339 : memref<1x448x768xf32, #tpu.memory_space<hbm>> -> memref<448x768xf32, #tpu.memory_space<hbm>>
      %dma_wait3A_341 = arith.constant 0 : i32
      %dma_wait3A_342 = arith.constant 0 : i32
      %dma_wait3A_343 = tpu.memref_slice %arg3[%dma_wait3A_336, %dma_wait3A_341, %dma_wait3A_342] : memref<2x448x768xf32, #tpu.memory_space<vmem_shared>> -> memref<1x448x768xf32, #tpu.memory_space<vmem_shared>>
      %dma_wait3A_344 = tpu.memref_squeeze %dma_wait3A_343 : memref<1x448x768xf32, #tpu.memory_space<vmem_shared>> -> memref<448x768xf32, #tpu.memory_space<vmem_shared>>
      tpu.wait_dma2 semaphore(%run_scoped3A_4 : memref<!tpu.dma_semaphore, #tpu.memory_space<semaphore_mem>>) src(%dma_wait3A_344 : memref<448x768xf32, #tpu.memory_space<vmem_shared>>) dst(%dma_wait3A_340 : memref<448x768xf32, #tpu.memory_space<hbm>>)
      %dma_wait3A_345 = arith.constant 1 : i32
      %dma_wait3A_346 = arith.constant 2 : i32
      %dma_wait3A_347 = arith.constant 0 : i32
      %dma_wait3A_348 = tpu.memref_slice %arg2[%dma_wait3A_346, %add3A_254, %dma_wait3A_347] : memref<4x8192x768xf32, #tpu.memory_space<hbm>> -> memref<1x448x768xf32, #tpu.memory_space<hbm>>
      %dma_wait3A_349 = tpu.memref_squeeze %dma_wait3A_348 : memref<1x448x768xf32, #tpu.memory_space<hbm>> -> memref<448x768xf32, #tpu.memory_space<hbm>>
      %dma_wait3A_350 = arith.constant 0 : i32
      %dma_wait3A_351 = arith.constant 0 : i32
      %dma_wait3A_352 = tpu.memref_slice %arg3[%dma_wait3A_345, %dma_wait3A_350, %dma_wait3A_351] : memref<2x448x768xf32, #tpu.memory_space<vmem_shared>> -> memref<1x448x768xf32, #tpu.memory_space<vmem_shared>>
      %dma_wait3A_353 = tpu.memref_squeeze %dma_wait3A_352 : memref<1x448x768xf32, #tpu.memory_space<vmem_shared>> -> memref<448x768xf32, #tpu.memory_space<vmem_shared>>
      tpu.wait_dma2 semaphore(%run_scoped3A_4 : memref<!tpu.dma_semaphore, #tpu.memory_space<semaphore_mem>>) src(%dma_wait3A_353 : memref<448x768xf32, #tpu.memory_space<vmem_shared>>) dst(%dma_wait3A_349 : memref<448x768xf32, #tpu.memory_space<hbm>>)
      %dma_wait3A_354 = arith.constant 1 : i32
      %dma_wait3A_355 = arith.constant 3 : i32
      %dma_wait3A_356 = arith.constant 0 : i32
      %dma_wait3A_357 = tpu.memref_slice %arg2[%dma_wait3A_355, %add3A_254, %dma_wait3A_356] : memref<4x8192x768xf32, #tpu.memory_space<hbm>> -> memref<1x448x768xf32, #tpu.memory_space<hbm>>
      %dma_wait3A_358 = tpu.memref_squeeze %dma_wait3A_357 : memref<1x448x768xf32, #tpu.memory_space<hbm>> -> memref<448x768xf32, #tpu.memory_space<hbm>>
      %dma_wait3A_359 = arith.constant 0 : i32
      %dma_wait3A_360 = arith.constant 0 : i32
      %dma_wait3A_361 = tpu.memref_slice %arg3[%dma_wait3A_354, %dma_wait3A_359, %dma_wait3A_360] : memref<2x448x768xf32, #tpu.memory_space<vmem_shared>> -> memref<1x448x768xf32, #tpu.memory_space<vmem_shared>>
      %dma_wait3A_362 = tpu.memref_squeeze %dma_wait3A_361 : memref<1x448x768xf32, #tpu.memory_space<vmem_shared>> -> memref<448x768xf32, #tpu.memory_space<vmem_shared>>
      tpu.wait_dma2 semaphore(%run_scoped3A_4 : memref<!tpu.dma_semaphore, #tpu.memory_space<semaphore_mem>>) src(%dma_wait3A_362 : memref<448x768xf32, #tpu.memory_space<vmem_shared>>) dst(%dma_wait3A_358 : memref<448x768xf32, #tpu.memory_space<hbm>>)
      tpu.yield
    }) : () -> ()
    return
  }
}

</mosaic_0001>

<sc_bundles>
// kernel: kernel.3.cloned.1.call-start
scs
__scs_entry_jumppad:
0x0: {  	(pc) =	sbr.rel $0x88, $3  }
0x1: {  	(tag) =	ssettag $0x0;
	lr =	simm.s32 $0x1  }
0x2: {  	[smem:$0x3FA0] =	sst lr;
	_ =	strace $0xD0000000  }
0x3: {  	_ = 	snop  }
0x4: {  	_ = 	snop  }
0x5: {  	_ = 	snop  }
0x6: {  	_ = 	snop  }
0x7: {  	_ = 	snop  }
__scs_overlays_trampoline_lowered:
0x8: {  	[smem:$0x3FAF] =	sst s0  }
0x9: {  	[smem:$0x3FB0] =	sst s1  }
0xa: {  	[smem:$0x3FB1] =	sst s2  }
0xb: {  	[smem:$0x3FB2] =	sst s3  }
0xc: {  	[smem:$0x3FB3] =	sst s4  }
0xd: {  	[smem:$0x3FB4] =	sst s5  }
0xe: {  	[smem:$0x3FB5] =	sst s6  }
0xf: {  	[smem:$0x3FB6] =	sst s7  }
0x10: {  	[smem:$0x3FB7] =	sst s8  }
0x11: {  	[smem:$0x3FB8] =	sst s9;
	s0 =	simm.s32 @!p0 $0x0  }
0x12: {  	s1 =	sld [smem:$0x3F9E];
	s0 =	simm.s32 @p0 $0x1  }
0x13: {  	[smem:$0x3FB9] =	sst s0;
	s0 =	simm.s32 @!p1 $0x0  }
0x14: {  	s2 =	sld [smem:$0x3F9D];
	s0 =	simm.s32 @p1 $0x1  }
0x15: {  	[smem:$0x3FBA] =	sst s0;
	s0 =	simm.s32 @!p2 $0x0  }
0x16: {  	s3 =	sld [smem:$0x3FDB];
	s0 =	simm.s32 @p2 $0x1  }
0x17: {  	s4 =	simm.s32 $0x1BF5;
	[smem:$0x3FBC] =	sst s0  }
0x18: {  	s0 =	sld [smem:$0x3F9F];
	_ =	swait.ge [sflag:s4], $0x0  }
0x19: {  	s7 =	sld [smem:$0x3FA0]  }
0x1a: {  	s8 =	sadd.s32 $0xFFFFE003, lr  }
0x1b: {  	s9 =	sadd.s32 $0xFFFFFEF7, lr;
	s5 =	simm.s32 $0xFFFFFFFF;
	p2 =	slt.u32 s8, $0xFFFFF086  }
0x1c: {  	p1 =	slt.u32 s9, $0xF7A;
	s5 =	simm.s32 @!p2 $0x0  }
0x1d: {  	s5 =	simm.s32 @p1 $0x1;
	p0 =	seq.s32 s7, s2  }
0x1e: {  	s7 =	smul.u32 @!p0 $0xF7A, s2;
	p2 =	seq.s32 @!p0 s5, $0x0  }
0x1f: {  	s9 =	smul.u32 $0xF7A, s1;
	s8 =	simm.s32 @!p0 $0x1BF5;
	p2 =	por !p2, p0  }
0x20: {  	[sflag:s8] =	ssyncset.s32 @!p0 $0xFFFFF086;
	s6 =	sadd.s32 @!p0 s3, s7;
	s7 =	simm.s32 @!p0 $0x108  }
0x21: {  	s3 =	sadd.s32 s3, s9;
	s6 =	sadd.s32 @!p0 $0x88, s6;
	s7 =	simm.s32 @p2 $0x1082  }
0x22: {  	[simem:s7], [sflag:s8] =	dma.local @!p0 [hbm:s6], $0xF7A  }
0x23: {  	s9 =	sor.u32 $0xD0000000, s2;
	s6 =	simm.s32 $0x108;
	_ =	swait.ge @!p0 [sflag:s8], $0x0  }
0x24: {  	s3 =	sadd.s32 $0x88, s3;
	s6 =	simm.s32 @!p1 $0x1082;
	[sflag:s4] =	ssyncset.s32 $0xFFFFF086  }
0x25: {  	[simem:s6], [sflag:s4] =	dma.local [hbm:s3], $0xF7A  }
0x26: {  	[smem:$0x3FA0] =	sst s1;
	(tag) =	ssettag s2;
	_ =	strace s9  }
0x27: {  	s1 =	sld [smem:$0x3FB0]  }
0x28: {  	s2 =	sld [smem:$0x3FB1]  }
0x29: {  	s4 =	sld [smem:$0x3FB3]  }
0x2a: {  	p0 =	seq.s32 s5, $0x0;
	s5 =	sld [smem:$0x3FB4]  }
0x2b: {  	s6 =	sld [smem:$0x3FB5]  }
0x2c: {  	s7 =	sld [smem:$0x3FB6]  }
0x2d: {  	s3 =	simm.s32 $0x108;
	s8 =	sld [smem:$0x3FB7]  }
0x2e: {  	s3 =	simm.s32 @!p0 $0x1082;
	s9 =	sld [smem:$0x3FB8]  }
0x2f: {  	lr =	sadd.s32 s0, s3;
	s0 =	sld [smem:$0x3FAF]  }
0x30: {  	s3 =	sld [smem:$0x3FB2]  }
0x31: {  	[smem:$0x3FBB] =	sst s10  }
0x32: {  	s10 =	sld [smem:$0x3FB9];
	_ =	sdelay $0x3  }
0x33: {  	p0 =	seq.s32 s10, $0x1;
	s10 =	sld [smem:$0x3FBB];
	_ =	sdelay $0x3  }
0x34: {  	[smem:$0x3FBB] =	sst s10  }
0x35: {  	s10 =	sld [smem:$0x3FBA];
	_ =	sdelay $0x3  }
0x36: {  	p1 =	seq.s32 s10, $0x1;
	s10 =	sld [smem:$0x3FBB];
	_ =	sdelay $0x3  }
0x37: {  	[smem:$0x3FBB] =	sst s10  }
0x38: {  	s10 =	sld [smem:$0x3FBC]  }
0x39: {  	_ = 	snop;
	(pc) =	sbr.ind lr, $3  }
0x3a: {  	_ = 	snop  }
0x3b: {  	_ = 	snop  }
0x3c: {  	p2 =	seq.s32 s10, $0x1;
	s10 =	sld [smem:$0x3FBB]  }
0x3d: {  	_ =	shalt  }
0x3e: {  	_ =	shalt  }
0x3f: {  	_ =	shalt  }
0x40: {  	_ =	shalt  }
0x41: {  	_ =	shalt  }
0x42: {  	_ =	shalt  }
0x43: {  	_ =	shalt  }
0x44: {  	_ =	shalt  }
0x45: {  	_ =	shalt  }
0x46: {  	_ =	shalt  }
0x47: {  	_ =	shalt  }
0x48: {  	_ =	shalt  }
0x49: {  	_ =	shalt  }
0x4a: {  	_ =	shalt  }
0x4b: {  	_ =	shalt  }
0x4c: {  	_ =	shalt  }
0x4d: {  	_ =	shalt  }
0x4e: {  	_ =	shalt  }
0x4f: {  	_ =	shalt  }
0x50: {  	_ =	shalt  }
0x51: {  	_ =	shalt  }
0x52: {  	_ =	shalt  }
0x53: {  	_ =	shalt  }
0x54: {  	_ =	shalt  }
0x55: {  	_ =	shalt  }
0x56: {  	_ =	shalt  }
0x57: {  	_ =	shalt  }
0x58: {  	_ =	shalt  }
0x59: {  	_ =	shalt  }
0x5a: {  	_ =	shalt  }
0x5b: {  	_ =	shalt  }
0x5c: {  	_ =	shalt  }
0x5d: {  	_ =	shalt  }
0x5e: {  	_ =	shalt  }
0x5f: {  	_ =	shalt  }
0x60: {  	_ =	shalt  }
0x61: {  	_ =	shalt  }
0x62: {  	_ =	shalt  }
0x63: {  	_ =	shalt  }
0x64: {  	_ =	shalt  }
0x65: {  	_ =	shalt  }
0x66: {  	_ =	shalt  }
0x67: {  	_ =	shalt  }
0x68: {  	_ =	shalt  }
0x69: {  	_ =	shalt  }
0x6a: {  	_ =	shalt  }
0x6b: {  	_ =	shalt  }
0x6c: {  	_ =	shalt  }
0x6d: {  	_ =	shalt  }
0x6e: {  	_ =	shalt  }
0x6f: {  	_ =	shalt  }
0x70: {  	_ =	shalt  }
0x71: {  	_ =	shalt  }
0x72: {  	_ =	shalt  }
0x73: {  	_ =	shalt  }
0x74: {  	_ =	shalt  }
0x75: {  	_ =	shalt  }
0x76: {  	_ =	shalt  }
0x77: {  	_ =	shalt  }
0x78: {  	_ =	shalt  }
0x79: {  	_ =	shalt  }
0x7a: {  	_ =	shalt  }
0x7b: {  	_ =	shalt  }
0x7c: {  	_ =	shalt  }
0x7d: {  	_ =	shalt  }
0x7e: {  	_ =	shalt  }
0x7f: {  	_ =	shalt  }
0x80: {  	_ =	shalt  }
0x81: {  	_ =	shalt  }
0x82: {  	_ =	shalt  }
0x83: {  	_ =	shalt  }
0x84: {  	_ =	shalt  }
0x85: {  	_ =	shalt  }
0x86: {  	_ =	shalt  }
0x87: {  	_ =	shalt  }
.Lfunc_end0:
.L_simem_size_0:
called_computation_lowered:
.L_overlay_start_0:
0x88: {  	s1 =	sld [smem:$0x3FD9]  }
0x89: {  	s3 =	sld [smem:$0x3FFE];
	_ =	sdelay $0x1  }
0x8a: {  	s2 =	srdreg.scid  }
0x8b: {  	s0 =	sand.u32 $0x1, s2  }
0x8c: {  	s20 =	sshll.u32 s0, $0xA;
	s1 =	sadd.s32 s3, s1  }
0x8d: {  	s1 =	sadd.s32 s1, s20  }
0x8e: {  	[smem:$0x3FC7] =	sst s1  }
0x8f: {  	_ = 	snop  }
0x90: {  	s1 =	simm.s32 $0x0;
	s4 =	sld [smem:$0x3FC9]  }
0x91: {  	[smem:$0xF] =	sst s1  }
0x92: {  	s3 =	sld [smem:$0x3FD0];
	(tm) =	ssettm $0x1  }
0x93: {  	s5 =	sld [smem:$0x3FFB];
	_ =	sdelay $0x3  }
0x94: {  	_ =	strace s5  }
0x95: {  	s5 =	sld [smem:$0x3FFC];
	_ =	sdelay $0x3  }
0x96: {  	_ =	strace s5  }
0x97: {  	s5 =	sld [smem:$0x3FFD];
	_ =	sdelay $0x3  }
0x98: {  	_ =	strace s5  }
0x99: {  	_ =	strace $0x8FFFFFFF  }
0x9a: {  	s21 =	sld [smem:$0x3FDB];
	_ =	sdelay $0x2  }
0x9b: {  	s6 =	simm.s32 $_scs_section_size;
	s7 =	simm.s32 $_tile_overlayer_lowered  }
0x9c: {  	s22 =	simm.s32 $_size__tile_overlayer_lowered;
	s7 =	sshll.u32 s7, $0x1;
	s5 =	sadd.s32 s6, s21  }
0x9d: {  	s8 =	simm.s32 $0x1BFF;
	s6 =	sshll.u32 s22, $0x1;
	s7 =	sadd.s32 s7, s5  }
0x9e: {  	[timem:s1], [sflag:s8] =	dma.local [hbm:s7], s6  }
0x9f: {  	_ =	swait.ge [sflag:s8], s6  }
0xa0: {  	s6 =	ssub.s32 $0x0, s6;
	[sflag:s8] =	ssyncset.done $0x0  }
0xa1: {  	[sflag:s8] =	ssyncadd.s32 s6;
	_ =	sdelay $0x1  }
0xa2: {  	s23 =	simm.s32 $0x1B8B  }
0xa3: {  	_ =	swait.ge [sflag:s23], $0x1  }
0xa4: {  	[sflag:s23] =	ssyncset.done $0x0  }
0xa5: {  	s24 =	simm.s32 $0x1B8E;
	[sflag:s23] =	ssyncadd.s32 $0xFFFFFFFF  }
0xa6: {  	s25 =	simm.s32 $execute0_lowered;
	[smem:$0x3FD2] =	sst s24  }
0xa7: {  	s6 =	sshll.u32 s25, $0x1;
	_ =	strace $0x80000046;
	[dreg:$0x1] =	wrdreg $0xFFFFFFFF  }
0xa8: {  	s26 =	simm.s32 $_size_execute0_lowered;
	s5 =	sadd.s32 s5, s6;
	[dreg:$0x0] =	wrdreg $0x0  }
0xa9: {  	s6 =	sshll.u32 s26, $0x1;
	[dreg:$0x2] =	wrdreg s5  }
0xaa: {  	[dreg:$0x3] =	wrdreg s6  }
0xab: {  	s28 =	smul.u32 $0x700, s0;
	[dreg:$0x4] =	wrdreg $0xC0  }
0xac: {  	_ =	task [dreg:s1], $0x5FFFF  }
0xad: {  	s5 =	sshrl.u32 s28, $0x3;
	[dreg:$0x1] =	wrdreg $0xFFFFFFFF  }
0xae: {  	s10 =	simm.s32 $0xA;
	s9 =	smul.u32 $0x1800, s5;
	[dreg:$0x0] =	wrdreg $0x60  }
0xaf: {  	s14 =	simm.s32 $0xA800;
	s6 =	simm.s32 $0xB;
	[dreg:$0x2] =	wrdreg s4  }
0xb0: {  	s5 =	sadd.s32 $0x360000, s9;
	s30 =	sadd.s32 $0x3B4000, s9;
	[dreg:$0x3] =	wrdreg s3  }
0xb1: {  	s5 =	sshrl.u32 s5, $0x3;
	s31 =	sshrl.u32 s30, $0x3;
	[dreg:$0x4] =	wrdreg $0x9  }
0xb2: {  	s29 =	sadd.s32 s5, s4;
	s11 =	sadd.s32 s31, s4;
	_ =	task.clear_ibuf [dreg:s1], $0x5FFFF  }
0xb3: {  	[spmem:s1], [sflag:s10] =	dma.local [hbm:s29], $0xA800  }
0xb4: {  	[spmem:s14], [sflag:s6] =	dma.local [hbm:s11], $0xA800  }
0xb5: {  	s15 =	sadd.s32 s5, s3;
	_ =	swait.ge [sflag:s10], $0xA800  }
0xb6: {  	s16 =	simm.s32 $0xC;
	s12 =	sadd.s32 $0xC0000, s15;
	[sflag:s10] =	ssyncset.done $0x0  }
0xb7: {  	s17 =	sadd.s32 $0x180000, s15;
	s11 =	sadd.s32 $0x240000, s15;
	[sflag:s10] =	ssyncadd.s32 $0xFFFF5800  }
0xb8: {  	[hbm:s15], [sflag:s16] =	dma.local [spmem:s1], $0xA800  }
0xb9: {  	[hbm:s12], [sflag:s16] =	dma.local [spmem:s1], $0xA800  }
0xba: {  	[hbm:s17], [sflag:s16] =	dma.local [spmem:s1], $0xA800  }
0xbb: {  	[hbm:s11], [sflag:s16] =	dma.local [spmem:s1], $0xA800  }
0xbc: {  	_ =	swait.ge [sflag:s16], $0xA800  }
0xbd: {  	[sflag:s16] =	ssyncset.done $0x0  }
0xbe: {  	[sflag:s16] =	ssyncadd.s32 $0xFFFF5800;
	_ =	sdelay $0x2  }
0xbf: {  	_ =	swait.ge [sflag:s16], $0xA800  }
0xc0: {  	[sflag:s16] =	ssyncset.done $0x0  }
0xc1: {  	[sflag:s16] =	ssyncadd.s32 $0xFFFF5800;
	_ =	sdelay $0x2  }
0xc2: {  	_ =	swait.ge [sflag:s16], $0xA800  }
0xc3: {  	[sflag:s16] =	ssyncset.done $0x0  }
0xc4: {  	[sflag:s16] =	ssyncadd.s32 $0xFFFF5800;
	_ =	sdelay $0x2  }
0xc5: {  	_ =	swait.ge [sflag:s16], $0xA800  }
0xc6: {  	s18 =	sor.u32 $0x408000, s9;
	[sflag:s16] =	ssyncset.done $0x0  }
0xc7: {  	s11 =	sshrl.u32 s18, $0x3;
	[sflag:s16] =	ssyncadd.s32 $0xFFFF5800  }
0xc8: {  	s19 =	sadd.s32 s11, s4  }
0xc9: {  	[spmem:s1], [sflag:s10] =	dma.local [hbm:s19], $0xA800  }
0xca: {  	s20 =	sadd.s32 s31, s3;
	_ =	swait.ge [sflag:s6], $0xA800  }
0xcb: {  	s21 =	simm.s32 $0xD;
	s13 =	sadd.s32 $0xC0000, s20;
	[sflag:s6] =	ssyncset.done $0x0  }
0xcc: {  	s22 =	sadd.s32 $0x180000, s20;
	s12 =	sadd.s32 $0x240000, s20;
	[sflag:s6] =	ssyncadd.s32 $0xFFFF5800  }
0xcd: {  	[hbm:s20], [sflag:s21] =	dma.local [spmem:s14], $0xA800  }
0xce: {  	[hbm:s13], [sflag:s21] =	dma.local [spmem:s14], $0xA800  }
0xcf: {  	[hbm:s22], [sflag:s21] =	dma.local [spmem:s14], $0xA800  }
0xd0: {  	[hbm:s12], [sflag:s21] =	dma.local [spmem:s14], $0xA800  }
0xd1: {  	_ =	swait.ge [sflag:s21], $0xA800  }
0xd2: {  	[sflag:s21] =	ssyncset.done $0x0  }
0xd3: {  	[sflag:s21] =	ssyncadd.s32 $0xFFFF5800;
	_ =	sdelay $0x2  }
0xd4: {  	_ =	swait.ge [sflag:s21], $0xA800  }
0xd5: {  	[sflag:s21] =	ssyncset.done $0x0  }
0xd6: {  	[sflag:s21] =	ssyncadd.s32 $0xFFFF5800;
	_ =	sdelay $0x2  }
0xd7: {  	_ =	swait.ge [sflag:s21], $0xA800  }
0xd8: {  	[sflag:s21] =	ssyncset.done $0x0  }
0xd9: {  	[sflag:s21] =	ssyncadd.s32 $0xFFFF5800;
	_ =	sdelay $0x2  }
0xda: {  	_ =	swait.ge [sflag:s21], $0xA800  }
0xdb: {  	s9 =	sadd.s32 $0x45C000, s9;
	[sflag:s21] =	ssyncset.done $0x0  }
0xdc: {  	s9 =	sshrl.u32 s9, $0x3;
	[sflag:s21] =	ssyncadd.s32 $0xFFFF5800  }
0xdd: {  	s4 =	sadd.s32 s9, s4  }
0xde: {  	[spmem:s14], [sflag:s6] =	dma.local [hbm:s4], $0xA800  }
0xdf: {  	s23 =	sadd.s32 s11, s3;
	_ =	swait.ge [sflag:s10], $0xA800  }
0xe0: {  	s24 =	sadd.s32 $0xC0000, s23;
	[sflag:s10] =	ssyncset.done $0x0  }
0xe1: {  	s25 =	sadd.s32 $0x180000, s23;
	s4 =	sadd.s32 $0x240000, s23;
	[sflag:s10] =	ssyncadd.s32 $0xFFFF5800  }
0xe2: {  	[hbm:s23], [sflag:s16] =	dma.local [spmem:s1], $0xA800  }
0xe3: {  	[hbm:s24], [sflag:s16] =	dma.local [spmem:s1], $0xA800  }
0xe4: {  	[hbm:s25], [sflag:s16] =	dma.local [spmem:s1], $0xA800  }
0xe5: {  	[hbm:s4], [sflag:s16] =	dma.local [spmem:s1], $0xA800  }
0xe6: {  	_ =	swait.ge [sflag:s6], $0xA800  }
0xe7: {  	[sflag:s6] =	ssyncset.done $0x0  }
0xe8: {  	s3 =	sadd.s32 s9, s3;
	[sflag:s6] =	ssyncadd.s32 $0xFFFF5800  }
0xe9: {  	[hbm:s3], [sflag:s21] =	dma.local [spmem:s14], $0xA800  }
0xea: {  	s26 =	sadd.s32 $0xC0000, s3;
	s28 =	sadd.s32 $0x180000, s3;
	s3 =	sadd.s32 $0x240000, s3  }
0xeb: {  	[hbm:s26], [sflag:s21] =	dma.local [spmem:s14], $0xA800  }
0xec: {  	[hbm:s28], [sflag:s21] =	dma.local [spmem:s14], $0xA800  }
0xed: {  	[hbm:s3], [sflag:s21] =	dma.local [spmem:s14], $0xA800  }
0xee: {  	_ =	swait.ge [sflag:s16], $0xA800  }
0xef: {  	[sflag:s16] =	ssyncset.done $0x0  }
0xf0: {  	[sflag:s16] =	ssyncadd.s32 $0xFFFF5800;
	_ =	sdelay $0x2  }
0xf1: {  	_ =	swait.ge [sflag:s16], $0xA800  }
0xf2: {  	[sflag:s16] =	ssyncset.done $0x0  }
0xf3: {  	[sflag:s16] =	ssyncadd.s32 $0xFFFF5800;
	_ =	sdelay $0x2  }
0xf4: {  	_ =	swait.ge [sflag:s16], $0xA800  }
0xf5: {  	[sflag:s16] =	ssyncset.done $0x0  }
0xf6: {  	[sflag:s16] =	ssyncadd.s32 $0xFFFF5800;
	_ =	sdelay $0x2  }
0xf7: {  	_ =	swait.ge [sflag:s16], $0xA800  }
0xf8: {  	[sflag:s16] =	ssyncset.done $0x0  }
0xf9: {  	[sflag:s16] =	ssyncadd.s32 $0xFFFF5800;
	_ =	sdelay $0x2  }
0xfa: {  	_ =	swait.ge [sflag:s21], $0xA800  }
0xfb: {  	[sflag:s21] =	ssyncset.done $0x0  }
0xfc: {  	[sflag:s21] =	ssyncadd.s32 $0xFFFF5800;
	_ =	sdelay $0x2  }
0xfd: {  	_ =	swait.ge [sflag:s21], $0xA800  }
0xfe: {  	[sflag:s21] =	ssyncset.done $0x0  }
0xff: {  	[sflag:s21] =	ssyncadd.s32 $0xFFFF5800;
	_ =	sdelay $0x2  }
0x100: {  	_ =	swait.ge [sflag:s21], $0xA800  }
0x101: {  	[sflag:s21] =	ssyncset.done $0x0  }
0x102: {  	[sflag:s21] =	ssyncadd.s32 $0xFFFF5800;
	_ =	sdelay $0x2  }
0x103: {  	_ =	swait.ge [sflag:s21], $0xA800  }
0x104: {  	[sflag:s21] =	ssyncset.done $0x0  }
0x105: {  	[sflag:s21] =	ssyncadd.s32 $0xFFFF5800  }
0x106: {  	_ =	strace $0x90000046  }
0x107: {  	s29 =	simm.s32 $0x9;
	_ =	strace $0x80000048  }
0x108: {  	_ =	swait.ge [sflag:s29], $0x1  }
0x109: {  	[sflag:s29] =	ssyncadd.s32 $0xFFFFFFFF  }
0x10a: {  	_ =	strace $0x90000048  }
0x10b: {  	_ =	sfence  }
0x10c: {  	s30 =	sld [smem:$0x0];
	_ =	sdelay $0x2  }
0x10d: {  	s31 =	sshll.u32 s2, $0xD;
	s2 =	sshrl.u32 s2, $0x2  }
0x10e: {  	s4 =	sand.u32 $0x4000, s31;
	s2 =	sadd.s32 s2, s30  }
0x10f: {  	s0 =	sor.u32 s4, s0;
	s2 =	sshll.u32 s2, $0x11  }
0x110: {  	s0 =	sor.u32 s2, s0  }
0x111: {  	s0 =	sadd.s32 $0x8F2B, s0  }
0x112: {  	[sflag:s0] =	ssyncadd.remote.s32 $0x1  }
0x113: {  	_ =	sfence.sel $0xFFFF  }
0x114: {  	[dreg:$0x0] =	wrdreg $0xFFFFFFFF;
	(pc) =	sbr.abs _section_cstart, $3  }
0x115: {  	[dreg:$0x1] =	wrdreg $0xFFFFFFFF  }
0x116: {  	_ =	task.clear_ibuf [dreg:s1], $0x2FFFF;
	_ =	strace $0x9FFFFFFF  }
0x117: {  	(tm) =	ssettm $0x7FFFFFFF  }
tec
execute0_lowered:
.L_overlay_start_1:
0x0: {  	(tag) =	ssettag $0x1  }
0x1: {  	s1 =	srdreg.scid;
	s0 =	stileid.u32  }
0x2: {  	s24 =	sand.u32 $0x1, s1;
	s31 =	sshll.u32 s0, $0x1  }
0x3: {  	s1 =	sor.u32 s24, s31  }
0x4: {  	s1 =	smul.u32 $0x90, s1  }
0x5: {  	s13 =	rddreg [dreg:$0x0]  }
0x6: {  	s19 =	rddreg [dreg:$0x1];
	s2 =	simm.s32 $0x0;
	s3 =	sshrl.u32 s1, $0x3  }
0x7: {  	[smem:$0x7FF] =	sst s2;
	s14 =	smul.u32 $0x1800, s3  }
0x8: {  	s1 =	rddreg [dreg:$0x2]  }
0x9: {  	_ =	strace $0x80000047;
	s8 =	sshrl.u32 s14, $0x3;
	s4 =	sadd.s32 $0x9000, s14  }
0xa: {  	s3 =	sadd.s32 s13, s8;
	s15 =	sshrl.u32 s4, $0x3;
	s4 =	simm.s32 $0xA800  }
0xb: {  	[tilespmem:s4], [sflag:$0x1] =	stream.linear.gather [hbm4b:s3+s2], $0x9000, $0x38;
	[tilespmem:$0x1C800] =	vst v63  }
0xc: {  	s6 =	simm.s32 $0x13800;
	s7 =	simm.s32 $0x1;
	s5 =	sadd.s32 s13, s15  }
0xd: {  	[tilespmem:s6], [sflag:$0x2] =	stream.linear.gather [hbm4b:s5+s2], $0x9000, $0x38;
	[tilespmem:$0x1C800] =	vst v63  }
0xe: {  	_ =	swait.ge [sflag:s7], $0x9000  }
0xf: {  	[sflag:s7] =	ssyncset.done $0x0  }
0x10: {  	s8 =	sadd.s32 s19, s8;
	[sflag:s7] =	ssyncadd.s32 $0xFFFF7000  }
0x11: {  	[hbm4b:s8+s2] =	stream.linear.scatter [tilespmem:s4], [sflag:$0x3], $0x9000, $0x38;
	[tilespmem:$0x1C800] =	vst v63  }
0x12: {  	s9 =	sadd.s32 $0xC0000, s8  }
0x13: {  	[hbm4b:s9+s2] =	stream.linear.scatter [tilespmem:s4], [sflag:$0x3], $0x9000, $0x38;
	[tilespmem:$0x1C800] =	vst v63  }
0x14: {  	s10 =	sadd.s32 $0x180000, s8  }
0x15: {  	[hbm4b:s10+s2] =	stream.linear.scatter [tilespmem:s4], [sflag:$0x3], $0x9000, $0x38;
	[tilespmem:$0x1C800] =	vst v63  }
0x16: {  	s12 =	simm.s32 $0x3;
	s11 =	sadd.s32 $0x240000, s8  }
0x17: {  	[hbm4b:s11+s2] =	stream.linear.scatter [tilespmem:s4], [sflag:$0x3], $0x9000, $0x38;
	[tilespmem:$0x1C800] =	vst v63  }
0x18: {  	_ =	swait.ge [sflag:s12], $0x9000  }
0x19: {  	[sflag:s12] =	ssyncset.done $0x0  }
0x1a: {  	[sflag:s12] =	ssyncadd.s32 $0xFFFF7000  }
0x1b: {  	_ =	swait.ge [sflag:s12], $0x9000  }
0x1c: {  	[sflag:s12] =	ssyncset.done $0x0  }
0x1d: {  	[sflag:s12] =	ssyncadd.s32 $0xFFFF7000  }
0x1e: {  	_ =	swait.ge [sflag:s12], $0x9000  }
0x1f: {  	[sflag:s12] =	ssyncset.done $0x0  }
0x20: {  	[sflag:s12] =	ssyncadd.s32 $0xFFFF7000  }
0x21: {  	s14 =	sadd.s32 $0x12000, s14;
	_ =	swait.ge [sflag:s12], $0x9000  }
0x22: {  	s20 =	sshrl.u32 s14, $0x3;
	[sflag:s12] =	ssyncset.done $0x0  }
0x23: {  	s14 =	simm.s32 $0x2;
	s13 =	sadd.s32 s13, s20;
	[sflag:s12] =	ssyncadd.s32 $0xFFFF7000  }
0x24: {  	[tilespmem:s4], [sflag:$0x1] =	stream.linear.gather [hbm4b:s13+s2], $0x9000, $0x38;
	[tilespmem:$0x1C800] =	vst v63  }
0x25: {  	_ =	swait.ge [sflag:s14], $0x9000  }
0x26: {  	[sflag:s14] =	ssyncset.done $0x0  }
0x27: {  	s15 =	sadd.s32 s19, s15;
	[sflag:s14] =	ssyncadd.s32 $0xFFFF7000  }
0x28: {  	[hbm4b:s15+s2] =	stream.linear.scatter [tilespmem:s6], [sflag:$0x4], $0x9000, $0x38;
	[tilespmem:$0x1C800] =	vst v63  }
0x29: {  	s16 =	sadd.s32 $0xC0000, s15  }
0x2a: {  	[hbm4b:s16+s2] =	stream.linear.scatter [tilespmem:s6], [sflag:$0x4], $0x9000, $0x38;
	[tilespmem:$0x1C800] =	vst v63  }
0x2b: {  	s17 =	sadd.s32 $0x180000, s15  }
0x2c: {  	[hbm4b:s17+s2] =	stream.linear.scatter [tilespmem:s6], [sflag:$0x4], $0x9000, $0x38;
	[tilespmem:$0x1C800] =	vst v63  }
0x2d: {  	s18 =	sadd.s32 $0x240000, s15  }
0x2e: {  	[hbm4b:s18+s2] =	stream.linear.scatter [tilespmem:s6], [sflag:$0x4], $0x9000, $0x38;
	[tilespmem:$0x1C800] =	vst v63  }
0x2f: {  	_ =	swait.ge [sflag:s7], $0x9000  }
0x30: {  	[sflag:s7] =	ssyncset.done $0x0  }
0x31: {  	s19 =	sadd.s32 s19, s20;
	[sflag:s7] =	ssyncadd.s32 $0xFFFF7000  }
0x32: {  	[hbm4b:s19+s2] =	stream.linear.scatter [tilespmem:s4], [sflag:$0x3], $0x9000, $0x38;
	[tilespmem:$0x1C800] =	vst v63  }
0x33: {  	s20 =	sadd.s32 $0xC0000, s19  }
0x34: {  	[hbm4b:s20+s2] =	stream.linear.scatter [tilespmem:s4], [sflag:$0x3], $0x9000, $0x38;
	[tilespmem:$0x1C800] =	vst v63  }
0x35: {  	s21 =	sadd.s32 $0x180000, s19  }
0x36: {  	[hbm4b:s21+s2] =	stream.linear.scatter [tilespmem:s4], [sflag:$0x3], $0x9000, $0x38;
	[tilespmem:$0x1C800] =	vst v63  }
0x37: {  	s22 =	sadd.s32 $0x240000, s19  }
0x38: {  	[hbm4b:s22+s2] =	stream.linear.scatter [tilespmem:s4], [sflag:$0x3], $0x9000, $0x38;
	[tilespmem:$0x1C800] =	vst v63  }
0x39: {  	_ =	swait.ge [sflag:s12], $0x9000  }
0x3a: {  	[sflag:s12] =	ssyncset.done $0x0  }
0x3b: {  	[sflag:s12] =	ssyncadd.s32 $0xFFFF7000  }
0x3c: {  	_ =	swait.ge [sflag:s12], $0x9000  }
0x3d: {  	[sflag:s12] =	ssyncset.done $0x0  }
0x3e: {  	[sflag:s12] =	ssyncadd.s32 $0xFFFF7000  }
0x3f: {  	_ =	swait.ge [sflag:s12], $0x9000  }
0x40: {  	[sflag:s12] =	ssyncset.done $0x0  }
0x41: {  	[sflag:s12] =	ssyncadd.s32 $0xFFFF7000  }
0x42: {  	_ =	swait.ge [sflag:s12], $0x9000  }
0x43: {  	[sflag:s12] =	ssyncset.done $0x0  }
0x44: {  	s23 =	simm.s32 $0x4;
	[sflag:s12] =	ssyncadd.s32 $0xFFFF7000  }
0x45: {  	_ =	swait.ge [sflag:s23], $0x9000  }
0x46: {  	s24 =	ssub.s32 $0x2, s24;
	[sflag:s23] =	ssyncset.done $0x0  }
0x47: {  	s25 =	sshrl.u32 s24, $0x1;
	[sflag:s23] =	ssyncadd.s32 $0xFFFF7000  }
0x48: {  	s24 =	ssub.s32 s24, s25;
	_ =	swait.ge [sflag:s23], $0x9000  }
0x49: {  	s24 =	smax.u32 s24, $0x1;
	[sflag:s23] =	ssyncset.done $0x0  }
0x4a: {  	p0 =	sne.s32 s24, $0x1;
	[sflag:s23] =	ssyncadd.s32 $0xFFFF7000  }
.Ltmp0:
0x4b: {  	_ =	swait.ge [sflag:s23], $0x9000;
	(pc) =	sbr.rel @!p0 .LBB2_2-.Ltmp0, $4  }
0x4c: {  	[sflag:s23] =	ssyncset.done $0x0  }
0x4d: {  	[sflag:s23] =	ssyncadd.s32 $0xFFFF7000  }
0x4e: {  	_ =	swait.ge [sflag:s23], $0x9000  }
0x4f: {  	s24 =	sadd.s32 $0xFFFFFFFF, s24;
	[sflag:s23] =	ssyncset.done $0x0  }
.LBB2_1:
0x50: {  	p0 =	sne.s32 s24, $0x1;
	s24 =	sadd.s32 $0xFFFFFFFF, s24;
	[sflag:s23] =	ssyncadd.s32 $0xFFFF7000  }
0x51: {  	[tilespmem:s4], [sflag:$0x1] =	stream.linear.gather [hbm4b:s3+s2], $0x9000, $0x38;
	[tilespmem:$0x1C800] =	vst v63  }
0x52: {  	_ = 	snop  }
0x53: {  	[tilespmem:s6], [sflag:$0x2] =	stream.linear.gather [hbm4b:s5+s2], $0x9000, $0x38;
	[tilespmem:$0x1C800] =	vst v63  }
0x54: {  	_ =	swait.ge [sflag:s7], $0x9000  }
0x55: {  	[sflag:s7] =	ssyncset.done $0x0  }
0x56: {  	[sflag:s7] =	ssyncadd.s32 $0xFFFF7000  }
0x57: {  	[hbm4b:s8+s2] =	stream.linear.scatter [tilespmem:s4], [sflag:$0x3], $0x9000, $0x38;
	[tilespmem:$0x1C800] =	vst v63  }
0x58: {  	_ = 	snop  }
0x59: {  	[hbm4b:s9+s2] =	stream.linear.scatter [tilespmem:s4], [sflag:$0x3], $0x9000, $0x38;
	[tilespmem:$0x1C800] =	vst v63  }
0x5a: {  	_ = 	snop  }
0x5b: {  	[hbm4b:s10+s2] =	stream.linear.scatter [tilespmem:s4], [sflag:$0x3], $0x9000, $0x38;
	[tilespmem:$0x1C800] =	vst v63  }
0x5c: {  	_ = 	snop  }
0x5d: {  	[hbm4b:s11+s2] =	stream.linear.scatter [tilespmem:s4], [sflag:$0x3], $0x9000, $0x38;
	[tilespmem:$0x1C800] =	vst v63  }
0x5e: {  	_ =	swait.ge [sflag:s12], $0x9000  }
0x5f: {  	[sflag:s12] =	ssyncset.done $0x0  }
0x60: {  	[sflag:s12] =	ssyncadd.s32 $0xFFFF7000  }
0x61: {  	_ =	swait.ge [sflag:s12], $0x9000  }
0x62: {  	[sflag:s12] =	ssyncset.done $0x0  }
0x63: {  	[sflag:s12] =	ssyncadd.s32 $0xFFFF7000  }
0x64: {  	_ =	swait.ge [sflag:s12], $0x9000  }
0x65: {  	[sflag:s12] =	ssyncset.done $0x0  }
0x66: {  	[sflag:s12] =	ssyncadd.s32 $0xFFFF7000  }
0x67: {  	_ =	swait.ge [sflag:s12], $0x9000  }
0x68: {  	[sflag:s12] =	ssyncset.done $0x0  }
0x69: {  	[sflag:s12] =	ssyncadd.s32 $0xFFFF7000  }
0x6a: {  	[tilespmem:s4], [sflag:$0x1] =	stream.linear.gather [hbm4b:s13+s2], $0x9000, $0x38;
	[tilespmem:$0x1C800] =	vst v63  }
0x6b: {  	_ =	swait.ge [sflag:s14], $0x9000  }
0x6c: {  	[sflag:s14] =	ssyncset.done $0x0  }
0x6d: {  	[sflag:s14] =	ssyncadd.s32 $0xFFFF7000  }
0x6e: {  	[hbm4b:s15+s2] =	stream.linear.scatter [tilespmem:s6], [sflag:$0x4], $0x9000, $0x38;
	[tilespmem:$0x1C800] =	vst v63  }
0x6f: {  	_ = 	snop  }
0x70: {  	[hbm4b:s16+s2] =	stream.linear.scatter [tilespmem:s6], [sflag:$0x4], $0x9000, $0x38;
	[tilespmem:$0x1C800] =	vst v63  }
0x71: {  	_ = 	snop  }
0x72: {  	[hbm4b:s17+s2] =	stream.linear.scatter [tilespmem:s6], [sflag:$0x4], $0x9000, $0x38;
	[tilespmem:$0x1C800] =	vst v63  }
0x73: {  	_ = 	snop  }
0x74: {  	[hbm4b:s18+s2] =	stream.linear.scatter [tilespmem:s6], [sflag:$0x4], $0x9000, $0x38;
	[tilespmem:$0x1C800] =	vst v63  }
0x75: {  	_ =	swait.ge [sflag:s7], $0x9000  }
0x76: {  	[sflag:s7] =	ssyncset.done $0x0  }
0x77: {  	[sflag:s7] =	ssyncadd.s32 $0xFFFF7000  }
0x78: {  	[hbm4b:s19+s2] =	stream.linear.scatter [tilespmem:s4], [sflag:$0x3], $0x9000, $0x38;
	[tilespmem:$0x1C800] =	vst v63  }
0x79: {  	_ = 	snop  }
0x7a: {  	[hbm4b:s20+s2] =	stream.linear.scatter [tilespmem:s4], [sflag:$0x3], $0x9000, $0x38;
	[tilespmem:$0x1C800] =	vst v63  }
0x7b: {  	_ = 	snop  }
0x7c: {  	[hbm4b:s21+s2] =	stream.linear.scatter [tilespmem:s4], [sflag:$0x3], $0x9000, $0x38;
	[tilespmem:$0x1C800] =	vst v63  }
0x7d: {  	_ = 	snop  }
0x7e: {  	[hbm4b:s22+s2] =	stream.linear.scatter [tilespmem:s4], [sflag:$0x3], $0x9000, $0x38;
	[tilespmem:$0x1C800] =	vst v63  }
0x7f: {  	_ =	swait.ge [sflag:s12], $0x9000  }
0x80: {  	[sflag:s12] =	ssyncset.done $0x0  }
0x81: {  	[sflag:s12] =	ssyncadd.s32 $0xFFFF7000  }
0x82: {  	_ =	swait.ge [sflag:s12], $0x9000  }
0x83: {  	[sflag:s12] =	ssyncset.done $0x0  }
0x84: {  	[sflag:s12] =	ssyncadd.s32 $0xFFFF7000  }
0x85: {  	_ =	swait.ge [sflag:s12], $0x9000  }
0x86: {  	[sflag:s12] =	ssyncset.done $0x0  }
0x87: {  	[sflag:s12] =	ssyncadd.s32 $0xFFFF7000  }
0x88: {  	_ =	swait.ge [sflag:s12], $0x9000  }
0x89: {  	[sflag:s12] =	ssyncset.done $0x0  }
0x8a: {  	[sflag:s12] =	ssyncadd.s32 $0xFFFF7000  }
0x8b: {  	_ =	swait.ge [sflag:s23], $0x9000  }
0x8c: {  	[sflag:s23] =	ssyncset.done $0x0  }
0x8d: {  	[sflag:s23] =	ssyncadd.s32 $0xFFFF7000  }
0x8e: {  	_ =	swait.ge [sflag:s23], $0x9000  }
0x8f: {  	[sflag:s23] =	ssyncset.done $0x0  }
0x90: {  	[sflag:s23] =	ssyncadd.s32 $0xFFFF7000  }
.Ltmp1:
0x91: {  	_ =	swait.ge [sflag:s23], $0x9000;
	(pc) =	sbr.rel @p0 .LBB2_1-.Ltmp1, $4  }
0x92: {  	[sflag:s23] =	ssyncset.done $0x0  }
0x93: {  	[sflag:s23] =	ssyncadd.s32 $0xFFFF7000  }
0x94: {  	_ =	swait.ge [sflag:s23], $0x9000  }
0x95: {  	[sflag:s23] =	ssyncset.done $0x0  }
.LBB2_2:
0x96: {  	[sflag:s23] =	ssyncadd.s32 $0xFFFF7000  }
0x97: {  	_ =	sfence.sel $0x180000  }
0x98: {  	[bflag:$0x0] =	sbarrier.arrive $0xFFFF  }
0x99: {  	p0 =	sne.s32 s0, $0x0;
	_ =	strace $0x90000047  }
0x9a: {  	s0 =	sadd.s32 @!p0 $0x100000, s1;
	[bflag:$0x2] =	sbarrier.arrive $0xFFFF  }
0x9b: {  	[sflag:s0] =	ssyncadd.tile.s32 @!p0 $0x1;
	_ =	shalt  }
.Lfunc_end2:
_tile_overlayer_lowered:
.L_overlay_start_2:
0x9c: {  	(tag) =	ssettag $0x2  }
0x9d: {  	s0 =	rddreg [dreg:$0x0];
	s2 =	stileid.u32  }
0x9e: {  	s1 =	rddreg [dreg:$0x1];
	p0 =	sne.s32 s2, $0x0  }
0x9f: {  	s3 =	rddreg [dreg:$0x2];
	[bflag:$0x3] =	sbarrier.arrive $0xFFFF;
	s2 =	simm.s32 @!p0 $0x1C01  }
0xa0: {  	[timem:s3], [sflag:s2] =	dma.local @!p0 [hbm:s0], s1  }
0xa1: {  	s0 =	simm.s32 @!p0 $0x1  }
0xa2: {  	_ =	swait.ge @!p0 [sflag:s0], s1  }
0xa3: {  	s1 =	ssub.s32 @!p0 $0x0, s1;
	[sflag:s0] =	ssyncset.done @!p0 $0x0  }
0xa4: {  	[sflag:s0] =	ssyncadd.s32 @!p0 s1  }
0xa5: {  	[bflag:$0x3] =	sbarrier.arrive $0xFFFF  }
0xa6: {  	_ =	shalt  }

</sc_bundles>
